<compile_context>
chip_gen: v7x
topology: tpu7x:2x2x1
jax: 0.10.2.dev20260603
libtpu: 0.0.44.dev20260713+nightly
codegen_flags: <defaults>
</compile_context>

<pallas_src>
import jax
import jax.numpy as jnp
from jax import lax
from jax.experimental import pallas as pl
from jax.experimental.pallas import tpu as pltpu
from jax.experimental.pallas import tpu_sc as plsc

N = 10000
E = 320000
DH = 16
NC, NS, L = 2, 16, 16
NPAD = 10240
D_T = 4
ESUB = 4
EPC = E // (NC * ESUB)
C_E = 4000
NCHUNK = EPC // C_E
DUP = NS // ESUB


def _proj_body(x_ref, w_ref, b_ref, as_ref, ad_ref, ht_ref, a2_ref):
    ht = lax.dot_general(w_ref[...], x_ref[...], (((0,), (1,)), ((), ())),
                         preferred_element_type=jnp.float32,
                         precision=lax.Precision.HIGHEST) + b_ref[...]
    for d in range(DH):
        ht_ref[pl.ds(d * NPAD, N)] = ht[d]
    att = jnp.concatenate([as_ref[...], ad_ref[...]], axis=0)
    a2 = jnp.dot(att, ht, preferred_element_type=jnp.float32,
                 precision=lax.Precision.HIGHEST)
    a2_ref[pl.ds(0, N)] = a2[0]
    a2_ref[pl.ds(NPAD, N)] = a2[1]


_proj_call = pl.pallas_call(
    _proj_body,
    out_shape=[
        jax.ShapeDtypeStruct((DH * NPAD,), jnp.float32),
        jax.ShapeDtypeStruct((2 * NPAD,), jnp.float32),
    ],
)


def _edge_body(ht_hbm, a2_hbm, ei_hbm, aggt_hbm, denp_hbm,
               asrc_loc, adst_loc, den_loc, hcol, aggl, sidx, didx,
               sem, chsem):
    c = lax.axis_index("c")
    s = lax.axis_index("s")
    wid = s * NC + c
    esub = s % ESUB
    dsub = s // ESUB
    d0 = dsub * D_T

    stage = [
        pltpu.async_copy(a2_hbm.at[pl.ds(0, NPAD)], asrc_loc, sem),
        pltpu.async_copy(a2_hbm.at[pl.ds(NPAD, NPAD)], adst_loc, sem),
    ] + [
        pltpu.async_copy(ht_hbm.at[pl.ds((d0 + t) * NPAD, NPAD)],
                         hcol.at[t], sem)
        for t in range(D_T)
    ]

    ebase = (c * ESUB + esub) * EPC
    first = [
        pltpu.async_copy(ei_hbm.at[pl.ds(ebase, C_E)], sidx.at[0], chsem),
        pltpu.async_copy(ei_hbm.at[pl.ds(E + ebase, C_E)], didx.at[0],
                         chsem),
    ]

    zeros = jnp.zeros((L,), jnp.float32)

    def _zero(i, carry):
        den_loc[pl.ds(i * L, L)] = zeros
        for t in range(D_T):
            aggl[t, pl.ds(i * L, L)] = zeros
        return carry

    lax.fori_loop(0, NPAD // L, _zero, 0)

    for d in stage + first:
        d.wait()

    def _chunk(k, carry):
        buf = lax.rem(k, 2)
        nbuf = 1 - buf
        base = ebase + (k + 1) * C_E

        @pl.when(k + 1 < NCHUNK)
        def _():
            pltpu.async_copy(ei_hbm.at[pl.ds(base, C_E)],
                             sidx.at[nbuf], chsem)
            pltpu.async_copy(ei_hbm.at[pl.ds(E + base, C_E)],
                             didx.at[nbuf], chsem)

        @plsc.parallel_loop(0, C_E // L, unroll=8)
        def _grp(j):
            sl = pl.ds(j * L, L)
            si = sidx[buf, sl]
            di = didx[buf, sl]
            a = plsc.load_gather(asrc_loc, [si])
            a = a + plsc.load_gather(adst_loc, [di])
            ex = jnp.exp(jnp.maximum(a, 0.2 * a))
            plsc.addupdate_scatter(den_loc, [di], ex)
            for t in range(D_T):
                hv = plsc.load_gather(hcol.at[t], [si])
                plsc.addupdate_scatter(aggl.at[t], [di], hv * ex)

        @pl.when(k + 1 < NCHUNK)
        def _():
            pltpu.make_async_copy(ei_hbm.at[pl.ds(base, C_E)],
                                  sidx.at[nbuf], chsem).wait()
            pltpu.make_async_copy(ei_hbm.at[pl.ds(E + base, C_E)],
                                  didx.at[nbuf], chsem).wait()
        return carry

    lax.fori_loop(0, NCHUNK, _chunk, 0)

    drain = [
        pltpu.async_copy(aggl.at[t], aggt_hbm.at[c * ESUB + esub, d0 + t],
                         sem)
        for t in range(D_T)
    ]

    @pl.when(dsub == 0)
    def _():
        pltpu.async_copy(den_loc, denp_hbm.at[c * ESUB + esub], sem).wait()

    for d in drain:
        d.wait()


_edge_call = pl.kernel(
    _edge_body,
    out_type=[
        jax.ShapeDtypeStruct((NC * ESUB, DH, NPAD), jnp.float32),
        jax.ShapeDtypeStruct((NC * ESUB, NPAD), jnp.float32),
    ],
    mesh=plsc.VectorSubcoreMesh(core_axis_name="c", subcore_axis_name="s",
                                num_cores=NC, num_subcores=NS),
    compiler_params=pltpu.CompilerParams(needs_layout_passes=False,
                                         use_tc_tiling_on_sc=False),
    scratch_types=[
        pltpu.VMEM((NPAD,), jnp.float32),
        pltpu.VMEM((NPAD,), jnp.float32),
        pltpu.VMEM((NPAD,), jnp.float32),
        pltpu.VMEM((D_T, NPAD), jnp.float32),
        pltpu.VMEM((D_T, NPAD), jnp.float32),
        pltpu.VMEM((2, C_E), jnp.int32),
        pltpu.VMEM((2, C_E), jnp.int32),
        pltpu.SemaphoreType.DMA,
        pltpu.SemaphoreType.DMA,
    ],
)


def _combine_body(aggt_ref, denp_ref, wl_ref, bl_ref, out_ref):
    aggt = jnp.sum(aggt_ref[...], axis=0)
    den = jnp.sum(denp_ref[...], axis=0, keepdims=True)
    v = aggt * (1.0 / (den + 1e-16))
    v = jnp.maximum(v, 0.0)
    mask = lax.broadcasted_iota(jnp.int32, (1, NPAD), 1) < N
    v = jnp.where(mask, v, 0.0)
    pooled = jnp.sum(v, axis=1, keepdims=True)
    out_ref[...] = lax.dot_general(
        pooled, wl_ref[...], (((0,), (0,)), ((), ())),
        preferred_element_type=jnp.float32,
        precision=lax.Precision.HIGHEST) + bl_ref[...]


_combine_call = pl.pallas_call(
    _combine_body,
    out_shape=jax.ShapeDtypeStruct((1, 1), jnp.float32),
)


def kernel(x, edge_index, W_proj, b_proj, att_src, att_dst, Wk, bk, q,
           W_lin, b_lin):
    ht, a2 = _proj_call(x, W_proj, b_proj.reshape(DH, 1),
                        att_src.reshape(1, DH), att_dst.reshape(1, DH))
    aggt, denp = _edge_call(ht, a2, edge_index.reshape(2 * E))
    return _combine_call(aggt, denp, W_lin, b_lin.reshape(1, 1))

# --- scband reference (transcript-rebuilt; emitter-appended) ---
"""Pipeline reference for scband-hetero-critic-67551245631994 (READ-ONLY COPY).

The authoritative reference and input builder live on the scoring server;
editing this copy changes nothing except your own understanding.
"""

import jax, jax.numpy as jnp
import numpy as np

N = 10000
E = 320000
D_IN = 128
D_HID = 16

def setup_inputs(seed: int = 0) -> dict:
    key = jax.random.key(seed)
    ks = jax.random.split(key, 12)
    x = jax.random.normal(ks[0], (N, D_IN), dtype=jnp.float32)
    edge_index = jax.random.randint(ks[1], (2, E), 0, N, dtype=jnp.int32)
    # HANConv layer 1 params (in=-1 lazily -> 128, out=16, heads=1)
    W_proj = jax.random.normal(ks[2], (D_IN, D_HID), dtype=jnp.float32) / np.sqrt(D_IN)
    b_proj = jnp.zeros((D_HID,), dtype=jnp.float32)
    att_src = jax.random.normal(ks[3], (D_HID,), dtype=jnp.float32) / np.sqrt(D_HID)
    att_dst = jax.random.normal(ks[4], (D_HID,), dtype=jnp.float32) / np.sqrt(D_HID)
    # semantic attention params
    Wk = jax.random.normal(ks[5], (D_HID, D_HID), dtype=jnp.float32) / np.sqrt(D_HID)
    bk = jnp.zeros((D_HID,), dtype=jnp.float32)
    q = jax.random.normal(ks[6], (D_HID,), dtype=jnp.float32) / np.sqrt(D_HID)
    # final linear 16 -> 1
    W_lin = jax.random.normal(ks[7], (D_HID, 1), dtype=jnp.float32) / np.sqrt(D_HID)
    b_lin = jnp.zeros((1,), dtype=jnp.float32)
    return {"x": x, "edge_index": edge_index, "W_proj": W_proj, "b_proj": b_proj,
            "att_src": att_src, "att_dst": att_dst, "Wk": Wk, "bk": bk, "q": q,
            "W_lin": W_lin, "b_lin": b_lin}

def reference(x, edge_index, W_proj, b_proj, att_src, att_dst, Wk, bk, q, W_lin, b_lin):
    # HANConv (single node type 'transition', single meta-path), heads=1
    h = x @ W_proj + b_proj                       # node-type projection [N, 16]
    a_src = (h * att_src).sum(-1)                 # [N]
    a_dst = (h * att_dst).sum(-1)                 # [N]
    src = edge_index[0]
    dst = edge_index[1]
    alpha = a_src[src] + a_dst[dst]               # gather per edge
    alpha = jax.nn.leaky_relu(alpha, 0.2)
    amax = jax.ops.segment_max(alpha, dst, num_segments=N)
    amax = jnp.where(jnp.isfinite(amax), amax, 0.0)
    ex = jnp.exp(alpha - amax[dst])
    denom = jax.ops.segment_sum(ex, dst, num_segments=N)
    w = ex / (denom[dst] + 1e-16)                 # edge softmax over dst
    msg = h[src] * w[:, None]                     # gather + weight
    agg = jax.ops.segment_sum(msg, dst, num_segments=N)  # scatter-add
    out = jax.nn.relu(agg)                        # HANConv applies relu per edge type
    # semantic attention across meta-paths (single meta-path here)
    score = (q * jnp.tanh(out @ Wk + bk).mean(0)).sum()
    attn = jax.nn.softmax(jnp.array([score]))     # == [1.0] for single meta-path
    out = attn[0] * out
    # HeteroCritic forward: relu, sum over nodes (graph readout), final linear
    out = jax.nn.relu(out)
    pooled = out.sum(axis=0, keepdims=True)       # [1, 16]
    return pooled @ W_lin + b_lin                 # [1, 1]

if __name__ == "__main__":
    import jax
    _d = setup_inputs()
    print(jax.jit(kernel)(*tuple(_d.values())))

</pallas_src>

<mosaic_0001>
#map = affine_map<(d0, d1) -> (0)>
#map1 = affine_map<(d0, d1) -> (0, 0, 0)>
#map2 = affine_map<(d0, d1) -> (0, 0)>
module attributes {stable_mosaic.version = 14 : i64} {
  func.func @_edge_body(%arg0: i32, %arg1: i32, %arg2: memref<163840xf32, #tpu.memory_space<hbm>>, %arg3: memref<20480xf32, #tpu.memory_space<hbm>>, %arg4: memref<640000xi32, #tpu.memory_space<hbm>>, %arg5: memref<8x16x10240xf32, #tpu.memory_space<hbm>>, %arg6: memref<8x10240xf32, #tpu.memory_space<hbm>>, %arg7: memref<10240xf32, #tpu.memory_space<vmem>>, %arg8: memref<10240xf32, #tpu.memory_space<vmem>>, %arg9: memref<10240xf32, #tpu.memory_space<vmem>>, %arg10: memref<4x10240xf32, #tpu.memory_space<vmem>>, %arg11: memref<4x10240xf32, #tpu.memory_space<vmem>>, %arg12: memref<2x4000xi32, #tpu.memory_space<vmem>>, %arg13: memref<2x4000xi32, #tpu.memory_space<vmem>>, %arg14: memref<!tpu.dma_semaphore, #tpu.memory_space<semaphore_mem>>, %arg15: memref<!tpu.dma_semaphore, #tpu.memory_space<semaphore_mem>>) attributes {dimension_semantics = [#tpu.dimension_semantics<core_parallel>, #tpu.dimension_semantics<subcore_parallel>], iteration_bounds = array<i64: 2, 16>, scalar_prefetch = 0 : i64, scratch_operands = 9 : i64, tpu.core_type = #tpu.core_type<sc_vector_subcore>, window_params = [{transform_indices = #map}, {transform_indices = #map}, {transform_indices = #map}, {transform_indices = #map1}, {transform_indices = #map2}]} {
    %mul3A = arith.constant 2 : i32
    %mul3A_0 = arith.muli %arg1, %mul3A : i32
    %add3A = arith.addi %mul3A_0, %arg0 : i32
    %jit3A = arith.constant 4 : i32
    %eq3A = arith.constant 0 : i32
    %eq3A_1 = arith.cmpi eq, %jit3A, %eq3A : i32
    %jit3A_2 = arith.constant 1 : i32
    %select_n3A = arith.select %eq3A_1, %jit3A_2, %jit3A : i32
    %rem3A = arith.remsi %arg1, %select_n3A : i32
    %ne3A = arith.constant 0 : i32
    %ne3A_3 = arith.cmpi ne, %rem3A, %ne3A : i32
    %lt3A = arith.constant 0 : i32
    %lt3A_4 = arith.cmpi slt, %rem3A, %lt3A : i32
    %lt3A_5 = arith.constant 0 : i32
    %lt3A_6 = arith.cmpi slt, %select_n3A, %lt3A_5 : i32
    %ne3A_7 = arith.xori %lt3A_4, %lt3A_6 : i1
    %and3A = arith.andi %ne3A_7, %ne3A_3 : i1
    %add3A_8 = arith.addi %rem3A, %select_n3A : i32
    %select_n3A_9 = arith.select %and3A, %add3A_8, %rem3A : i32
    %jit3A_10 = arith.constant 4 : i32
    %div3A = arith.divsi %arg1, %jit3A_10 : i32
    %sign3A = arith.constant 0 : i32
    %sign3A_11 = arith.cmpi sgt, %arg1, %sign3A : i32
    %sign3A_12 = arith.extui %sign3A_11 : i1 to i32
    %sign3A_13 = arith.constant 0 : i32
    %sign3A_14 = arith.cmpi slt, %arg1, %sign3A_13 : i32
    %sign3A_15 = arith.extui %sign3A_14 : i1 to i32
    %sign3A_16 = arith.subi %sign3A_12, %sign3A_15 : i32
    %sign3A_17 = arith.constant 0 : i32
    %sign3A_18 = arith.cmpi sgt, %jit3A_10, %sign3A_17 : i32
    %sign3A_19 = arith.extui %sign3A_18 : i1 to i32
    %sign3A_20 = arith.constant 0 : i32
    %sign3A_21 = arith.cmpi slt, %jit3A_10, %sign3A_20 : i32
    %sign3A_22 = arith.extui %sign3A_21 : i1 to i32
    %sign3A_23 = arith.subi %sign3A_19, %sign3A_22 : i32
    %ne3A_24 = arith.cmpi ne, %sign3A_16, %sign3A_23 : i32
    %rem3A_25 = arith.remsi %arg1, %jit3A_10 : i32
    %ne3A_26 = arith.constant 0 : i32
    %ne3A_27 = arith.cmpi ne, %rem3A_25, %ne3A_26 : i32
    %and3A_28 = arith.andi %ne3A_24, %ne3A_27 : i1
    %sub3A = arith.constant 1 : i32
    %sub3A_29 = arith.subi %div3A, %sub3A : i32
    %select_n3A_30 = arith.select %and3A_28, %sub3A_29, %div3A : i32
    %mul3A_31 = arith.constant 4 : i32
    %mul3A_32 = arith.muli %select_n3A_30, %mul3A_31 : i32
    %dma_start3A = arith.constant 0 : i32
    %dma_start3A_33 = tpu.memref_slice %arg3[%dma_start3A] : memref<20480xf32, #tpu.memory_space<hbm>> -> memref<10240xf32, #tpu.memory_space<hbm>>
    %dma_start3A_34 = arith.constant 0 : i32
    %dma_start3A_35 = tpu.memref_slice %arg3[%dma_start3A_34] : memref<20480xf32, #tpu.memory_space<hbm>> -> memref<10240xf32, #tpu.memory_space<hbm>>
    tpu.enqueue_dma source(%dma_start3A_35 : memref<10240xf32, #tpu.memory_space<hbm>>) target(%arg7 : memref<10240xf32, #tpu.memory_space<vmem>>) target_semaphore(%arg14 : memref<!tpu.dma_semaphore, #tpu.memory_space<semaphore_mem>>)
    %dma_start3A_36 = arith.constant 10240 : i32
    %dma_start3A_37 = tpu.memref_slice %arg3[%dma_start3A_36] : memref<20480xf32, #tpu.memory_space<hbm>> -> memref<10240xf32, #tpu.memory_space<hbm>>
    %dma_start3A_38 = arith.constant 10240 : i32
    %dma_start3A_39 = tpu.memref_slice %arg3[%dma_start3A_38] : memref<20480xf32, #tpu.memory_space<hbm>> -> memref<10240xf32, #tpu.memory_space<hbm>>
    tpu.enqueue_dma source(%dma_start3A_39 : memref<10240xf32, #tpu.memory_space<hbm>>) target(%arg8 : memref<10240xf32, #tpu.memory_space<vmem>>) target_semaphore(%arg14 : memref<!tpu.dma_semaphore, #tpu.memory_space<semaphore_mem>>)
    %add3A_40 = arith.constant 0 : i32
    %add3A_41 = arith.addi %mul3A_32, %add3A_40 : i32
    %mul3A_42 = arith.constant 10240 : i32
    %mul3A_43 = arith.muli %add3A_41, %mul3A_42 : i32
    %dma_start3A_44 = arith.constant 0 : i32
    %dma_start3A_45 = arith.constant 0 : i32
    %dma_start3A_46 = tpu.memref_slice %arg10[%dma_start3A_44, %dma_start3A_45] : memref<4x10240xf32, #tpu.memory_space<vmem>> -> memref<1x10240xf32, #tpu.memory_space<vmem>>
    %dma_start3A_47 = tpu.memref_squeeze %dma_start3A_46 : memref<1x10240xf32, #tpu.memory_space<vmem>> -> memref<10240xf32, #tpu.memory_space<vmem>>
    %dma_start3A_48 = tpu.memref_slice %arg2[%mul3A_43] : memref<163840xf32, #tpu.memory_space<hbm>> -> memref<10240xf32, #tpu.memory_space<hbm>>
    %dma_start3A_49 = arith.constant 0 : i32
    %dma_start3A_50 = tpu.memref_slice %arg10[%dma_start3A_44, %dma_start3A_49] : memref<4x10240xf32, #tpu.memory_space<vmem>> -> memref<1x10240xf32, #tpu.memory_space<vmem>>
    %dma_start3A_51 = tpu.memref_squeeze %dma_start3A_50 : memref<1x10240xf32, #tpu.memory_space<vmem>> -> memref<10240xf32, #tpu.memory_space<vmem>>
    %dma_start3A_52 = tpu.memref_slice %arg2[%mul3A_43] : memref<163840xf32, #tpu.memory_space<hbm>> -> memref<10240xf32, #tpu.memory_space<hbm>>
    tpu.enqueue_dma source(%dma_start3A_52 : memref<10240xf32, #tpu.memory_space<hbm>>) target(%dma_start3A_51 : memref<10240xf32, #tpu.memory_space<vmem>>) target_semaphore(%arg14 : memref<!tpu.dma_semaphore, #tpu.memory_space<semaphore_mem>>)
    %add3A_53 = arith.constant 1 : i32
    %add3A_54 = arith.addi %mul3A_32, %add3A_53 : i32
    %mul3A_55 = arith.constant 10240 : i32
    %mul3A_56 = arith.muli %add3A_54, %mul3A_55 : i32
    %dma_start3A_57 = arith.constant 1 : i32
    %dma_start3A_58 = arith.constant 0 : i32
    %dma_start3A_59 = tpu.memref_slice %arg10[%dma_start3A_57, %dma_start3A_58] : memref<4x10240xf32, #tpu.memory_space<vmem>> -> memref<1x10240xf32, #tpu.memory_space<vmem>>
    %dma_start3A_60 = tpu.memref_squeeze %dma_start3A_59 : memref<1x10240xf32, #tpu.memory_space<vmem>> -> memref<10240xf32, #tpu.memory_space<vmem>>
    %dma_start3A_61 = tpu.memref_slice %arg2[%mul3A_56] : memref<163840xf32, #tpu.memory_space<hbm>> -> memref<10240xf32, #tpu.memory_space<hbm>>
    %dma_start3A_62 = arith.constant 0 : i32
    %dma_start3A_63 = tpu.memref_slice %arg10[%dma_start3A_57, %dma_start3A_62] : memref<4x10240xf32, #tpu.memory_space<vmem>> -> memref<1x10240xf32, #tpu.memory_space<vmem>>
    %dma_start3A_64 = tpu.memref_squeeze %dma_start3A_63 : memref<1x10240xf32, #tpu.memory_space<vmem>> -> memref<10240xf32, #tpu.memory_space<vmem>>
    %dma_start3A_65 = tpu.memref_slice %arg2[%mul3A_56] : memref<163840xf32, #tpu.memory_space<hbm>> -> memref<10240xf32, #tpu.memory_space<hbm>>
    tpu.enqueue_dma source(%dma_start3A_65 : memref<10240xf32, #tpu.memory_space<hbm>>) target(%dma_start3A_64 : memref<10240xf32, #tpu.memory_space<vmem>>) target_semaphore(%arg14 : memref<!tpu.dma_semaphore, #tpu.memory_space<semaphore_mem>>)
    %add3A_66 = arith.constant 2 : i32
    %add3A_67 = arith.addi %mul3A_32, %add3A_66 : i32
    %mul3A_68 = arith.constant 10240 : i32
    %mul3A_69 = arith.muli %add3A_67, %mul3A_68 : i32
    %dma_start3A_70 = arith.constant 2 : i32
    %dma_start3A_71 = arith.constant 0 : i32
    %dma_start3A_72 = tpu.memref_slice %arg10[%dma_start3A_70, %dma_start3A_71] : memref<4x10240xf32, #tpu.memory_space<vmem>> -> memref<1x10240xf32, #tpu.memory_space<vmem>>
    %dma_start3A_73 = tpu.memref_squeeze %dma_start3A_72 : memref<1x10240xf32, #tpu.memory_space<vmem>> -> memref<10240xf32, #tpu.memory_space<vmem>>
    %dma_start3A_74 = tpu.memref_slice %arg2[%mul3A_69] : memref<163840xf32, #tpu.memory_space<hbm>> -> memref<10240xf32, #tpu.memory_space<hbm>>
    %dma_start3A_75 = arith.constant 0 : i32
    %dma_start3A_76 = tpu.memref_slice %arg10[%dma_start3A_70, %dma_start3A_75] : memref<4x10240xf32, #tpu.memory_space<vmem>> -> memref<1x10240xf32, #tpu.memory_space<vmem>>
    %dma_start3A_77 = tpu.memref_squeeze %dma_start3A_76 : memref<1x10240xf32, #tpu.memory_space<vmem>> -> memref<10240xf32, #tpu.memory_space<vmem>>
    %dma_start3A_78 = tpu.memref_slice %arg2[%mul3A_69] : memref<163840xf32, #tpu.memory_space<hbm>> -> memref<10240xf32, #tpu.memory_space<hbm>>
    tpu.enqueue_dma source(%dma_start3A_78 : memref<10240xf32, #tpu.memory_space<hbm>>) target(%dma_start3A_77 : memref<10240xf32, #tpu.memory_space<vmem>>) target_semaphore(%arg14 : memref<!tpu.dma_semaphore, #tpu.memory_space<semaphore_mem>>)
    %add3A_79 = arith.constant 3 : i32
    %add3A_80 = arith.addi %mul3A_32, %add3A_79 : i32
    %mul3A_81 = arith.constant 10240 : i32
    %mul3A_82 = arith.muli %add3A_80, %mul3A_81 : i32
    %dma_start3A_83 = arith.constant 3 : i32
    %dma_start3A_84 = arith.constant 0 : i32
    %dma_start3A_85 = tpu.memref_slice %arg10[%dma_start3A_83, %dma_start3A_84] : memref<4x10240xf32, #tpu.memory_space<vmem>> -> memref<1x10240xf32, #tpu.memory_space<vmem>>
    %dma_start3A_86 = tpu.memref_squeeze %dma_start3A_85 : memref<1x10240xf32, #tpu.memory_space<vmem>> -> memref<10240xf32, #tpu.memory_space<vmem>>
    %dma_start3A_87 = tpu.memref_slice %arg2[%mul3A_82] : memref<163840xf32, #tpu.memory_space<hbm>> -> memref<10240xf32, #tpu.memory_space<hbm>>
    %dma_start3A_88 = arith.constant 0 : i32
    %dma_start3A_89 = tpu.memref_slice %arg10[%dma_start3A_83, %dma_start3A_88] : memref<4x10240xf32, #tpu.memory_space<vmem>> -> memref<1x10240xf32, #tpu.memory_space<vmem>>
    %dma_start3A_90 = tpu.memref_squeeze %dma_start3A_89 : memref<1x10240xf32, #tpu.memory_space<vmem>> -> memref<10240xf32, #tpu.memory_space<vmem>>
    %dma_start3A_91 = tpu.memref_slice %arg2[%mul3A_82] : memref<163840xf32, #tpu.memory_space<hbm>> -> memref<10240xf32, #tpu.memory_space<hbm>>
    tpu.enqueue_dma source(%dma_start3A_91 : memref<10240xf32, #tpu.memory_space<hbm>>) target(%dma_start3A_90 : memref<10240xf32, #tpu.memory_space<vmem>>) target_semaphore(%arg14 : memref<!tpu.dma_semaphore, #tpu.memory_space<semaphore_mem>>)
    %mul3A_92 = arith.constant 4 : i32
    %mul3A_93 = arith.muli %arg0, %mul3A_92 : i32
    %add3A_94 = arith.addi %mul3A_93, %select_n3A_9 : i32
    %mul3A_95 = arith.constant 40000 : i32
    %mul3A_96 = arith.muli %add3A_94, %mul3A_95 : i32
    %dma_start3A_97 = arith.constant 0 : i32
    %dma_start3A_98 = arith.constant 0 : i32
    %dma_start3A_99 = tpu.memref_slice %arg12[%dma_start3A_97, %dma_start3A_98] : memref<2x4000xi32, #tpu.memory_space<vmem>> -> memref<1x4000xi32, #tpu.memory_space<vmem>>
    %dma_start3A_100 = tpu.memref_squeeze %dma_start3A_99 : memref<1x4000xi32, #tpu.memory_space<vmem>> -> memref<4000xi32, #tpu.memory_space<vmem>>
    %dma_start3A_101 = tpu.memref_slice %arg4[%mul3A_96] : memref<640000xi32, #tpu.memory_space<hbm>> -> memref<4000xi32, #tpu.memory_space<hbm>>
    %dma_start3A_102 = arith.constant 0 : i32
    %dma_start3A_103 = tpu.memref_slice %arg12[%dma_start3A_97, %dma_start3A_102] : memref<2x4000xi32, #tpu.memory_space<vmem>> -> memref<1x4000xi32, #tpu.memory_space<vmem>>
    %dma_start3A_104 = tpu.memref_squeeze %dma_start3A_103 : memref<1x4000xi32, #tpu.memory_space<vmem>> -> memref<4000xi32, #tpu.memory_space<vmem>>
    %dma_start3A_105 = tpu.memref_slice %arg4[%mul3A_96] : memref<640000xi32, #tpu.memory_space<hbm>> -> memref<4000xi32, #tpu.memory_space<hbm>>
    tpu.enqueue_dma source(%dma_start3A_105 : memref<4000xi32, #tpu.memory_space<hbm>>) target(%dma_start3A_104 : memref<4000xi32, #tpu.memory_space<vmem>>) target_semaphore(%arg15 : memref<!tpu.dma_semaphore, #tpu.memory_space<semaphore_mem>>)
    %add3A_106 = arith.constant 320000 : i32
    %add3A_107 = arith.addi %add3A_106, %mul3A_96 : i32
    %dma_start3A_108 = arith.constant 0 : i32
    %dma_start3A_109 = arith.constant 0 : i32
    %dma_start3A_110 = tpu.memref_slice %arg13[%dma_start3A_108, %dma_start3A_109] : memref<2x4000xi32, #tpu.memory_space<vmem>> -> memref<1x4000xi32, #tpu.memory_space<vmem>>
    %dma_start3A_111 = tpu.memref_squeeze %dma_start3A_110 : memref<1x4000xi32, #tpu.memory_space<vmem>> -> memref<4000xi32, #tpu.memory_space<vmem>>
    %dma_start3A_112 = tpu.memref_slice %arg4[%add3A_107] : memref<640000xi32, #tpu.memory_space<hbm>> -> memref<4000xi32, #tpu.memory_space<hbm>>
    %dma_start3A_113 = arith.constant 0 : i32
    %dma_start3A_114 = tpu.memref_slice %arg13[%dma_start3A_108, %dma_start3A_113] : memref<2x4000xi32, #tpu.memory_space<vmem>> -> memref<1x4000xi32, #tpu.memory_space<vmem>>
    %dma_start3A_115 = tpu.memref_squeeze %dma_start3A_114 : memref<1x4000xi32, #tpu.memory_space<vmem>> -> memref<4000xi32, #tpu.memory_space<vmem>>
    %dma_start3A_116 = tpu.memref_slice %arg4[%add3A_107] : memref<640000xi32, #tpu.memory_space<hbm>> -> memref<4000xi32, #tpu.memory_space<hbm>>
    tpu.enqueue_dma source(%dma_start3A_116 : memref<4000xi32, #tpu.memory_space<hbm>>) target(%dma_start3A_115 : memref<4000xi32, #tpu.memory_space<vmem>>) target_semaphore(%arg15 : memref<!tpu.dma_semaphore, #tpu.memory_space<semaphore_mem>>)
    %broadcast_in_dim3A = arith.constant 0.000000e+00 : f32
    %broadcast_in_dim3A_117 = vector.broadcast %broadcast_in_dim3A : f32 to vector<16xf32>
    %scan3A = arith.constant 0 : i32
    %scan3A_118 = arith.constant 0 : i32
    %scan3A_119 = arith.constant 640 : i32
    %scan3A_120 = arith.addi %scan3A_118, %scan3A_119 : i32
    %scan3A_121 = arith.constant 1 : i32
    scf.for %scan3A_317 = %scan3A_118 to %scan3A_120 step %scan3A_121  : i32 {
      %mul3A_318 = arith.constant 16 : i32
      %mul3A_319 = arith.muli %scan3A_317, %mul3A_318 : i32
      %swap3A = arith.index_cast %mul3A_319 : i32 to index
      %swap3A_320 = tpu.vector_load %arg9[%swap3A] {strides = array<i32>} : memref<10240xf32, #tpu.memory_space<vmem>>, vector<16xf32>,
      tpu.vector_store %arg9[%swap3A], %broadcast_in_dim3A_117 {strides = array<i32>} : memref<10240xf32, #tpu.memory_space<vmem>>, vector<16xf32>,
      %mul3A_321 = arith.constant 16 : i32
      %mul3A_322 = arith.muli %scan3A_317, %mul3A_321 : i32
      %swap3A_323 = arith.constant 0 : i32
      %swap3A_324 = arith.index_cast %swap3A_323 : i32 to index
      %swap3A_325 = arith.index_cast %mul3A_322 : i32 to index
      %swap3A_326 = tpu.vector_load %arg11[%swap3A_324, %swap3A_325] {strides = array<i32>} : memref<4x10240xf32, #tpu.memory_space<vmem>>, vector<16xf32>,
      tpu.vector_store %arg11[%swap3A_324, %swap3A_325], %broadcast_in_dim3A_117 {strides = array<i32>} : memref<4x10240xf32, #tpu.memory_space<vmem>>, vector<16xf32>,
      %mul3A_327 = arith.constant 16 : i32
      %mul3A_328 = arith.muli %scan3A_317, %mul3A_327 : i32
      %swap3A_329 = arith.constant 1 : i32
      %swap3A_330 = arith.index_cast %swap3A_329 : i32 to index
      %swap3A_331 = arith.index_cast %mul3A_328 : i32 to index
      %swap3A_332 = tpu.vector_load %arg11[%swap3A_330, %swap3A_331] {strides = array<i32>} : memref<4x10240xf32, #tpu.memory_space<vmem>>, vector<16xf32>,
      tpu.vector_store %arg11[%swap3A_330, %swap3A_331], %broadcast_in_dim3A_117 {strides = array<i32>} : memref<4x10240xf32, #tpu.memory_space<vmem>>, vector<16xf32>,
      %mul3A_333 = arith.constant 16 : i32
      %mul3A_334 = arith.muli %scan3A_317, %mul3A_333 : i32
      %swap3A_335 = arith.constant 2 : i32
      %swap3A_336 = arith.index_cast %swap3A_335 : i32 to index
      %swap3A_337 = arith.index_cast %mul3A_334 : i32 to index
      %swap3A_338 = tpu.vector_load %arg11[%swap3A_336, %swap3A_337] {strides = array<i32>} : memref<4x10240xf32, #tpu.memory_space<vmem>>, vector<16xf32>,
      tpu.vector_store %arg11[%swap3A_336, %swap3A_337], %broadcast_in_dim3A_117 {strides = array<i32>} : memref<4x10240xf32, #tpu.memory_space<vmem>>, vector<16xf32>,
      %mul3A_339 = arith.constant 16 : i32
      %mul3A_340 = arith.muli %scan3A_317, %mul3A_339 : i32
      %swap3A_341 = arith.constant 3 : i32
      %swap3A_342 = arith.index_cast %swap3A_341 : i32 to index
      %swap3A_343 = arith.index_cast %mul3A_340 : i32 to index
      %swap3A_344 = tpu.vector_load %arg11[%swap3A_342, %swap3A_343] {strides = array<i32>} : memref<4x10240xf32, #tpu.memory_space<vmem>>, vector<16xf32>,
      tpu.vector_store %arg11[%swap3A_342, %swap3A_343], %broadcast_in_dim3A_117 {strides = array<i32>} : memref<4x10240xf32, #tpu.memory_space<vmem>>, vector<16xf32>,
    }
    %scan3A_122 = arith.constant 640 : i32
    %dma_wait3A = arith.constant 0 : i32
    %dma_wait3A_123 = tpu.memref_slice %arg3[%dma_wait3A] : memref<20480xf32, #tpu.memory_space<hbm>> -> memref<10240xf32, #tpu.memory_space<hbm>>
    %dma_wait3A_124 = arith.constant 0 : i32
    %dma_wait3A_125 = tpu.memref_slice %arg3[%dma_wait3A_124] : memref<20480xf32, #tpu.memory_space<hbm>> -> memref<10240xf32, #tpu.memory_space<hbm>>
    tpu.wait_dma2 semaphore(%arg14 : memref<!tpu.dma_semaphore, #tpu.memory_space<semaphore_mem>>) src(%dma_wait3A_125 : memref<10240xf32, #tpu.memory_space<hbm>>) dst(%arg7 : memref<10240xf32, #tpu.memory_space<vmem>>)
    %dma_wait3A_126 = arith.constant 10240 : i32
    %dma_wait3A_127 = tpu.memref_slice %arg3[%dma_wait3A_126] : memref<20480xf32, #tpu.memory_space<hbm>> -> memref<10240xf32, #tpu.memory_space<hbm>>
    %dma_wait3A_128 = arith.constant 10240 : i32
    %dma_wait3A_129 = tpu.memref_slice %arg3[%dma_wait3A_128] : memref<20480xf32, #tpu.memory_space<hbm>> -> memref<10240xf32, #tpu.memory_space<hbm>>
    tpu.wait_dma2 semaphore(%arg14 : memref<!tpu.dma_semaphore, #tpu.memory_space<semaphore_mem>>) src(%dma_wait3A_129 : memref<10240xf32, #tpu.memory_space<hbm>>) dst(%arg8 : memref<10240xf32, #tpu.memory_space<vmem>>)
    %dma_wait3A_130 = arith.constant 0 : i32
    %dma_wait3A_131 = arith.constant 0 : i32
    %dma_wait3A_132 = tpu.memref_slice %arg10[%dma_wait3A_130, %dma_wait3A_131] : memref<4x10240xf32, #tpu.memory_space<vmem>> -> memref<1x10240xf32, #tpu.memory_space<vmem>>
    %dma_wait3A_133 = tpu.memref_squeeze %dma_wait3A_132 : memref<1x10240xf32, #tpu.memory_space<vmem>> -> memref<10240xf32, #tpu.memory_space<vmem>>
    %dma_wait3A_134 = tpu.memref_slice %arg2[%mul3A_43] : memref<163840xf32, #tpu.memory_space<hbm>> -> memref<10240xf32, #tpu.memory_space<hbm>>
    %dma_wait3A_135 = arith.constant 0 : i32
    %dma_wait3A_136 = tpu.memref_slice %arg10[%dma_wait3A_130, %dma_wait3A_135] : memref<4x10240xf32, #tpu.memory_space<vmem>> -> memref<1x10240xf32, #tpu.memory_space<vmem>>
    %dma_wait3A_137 = tpu.memref_squeeze %dma_wait3A_136 : memref<1x10240xf32, #tpu.memory_space<vmem>> -> memref<10240xf32, #tpu.memory_space<vmem>>
    %dma_wait3A_138 = tpu.memref_slice %arg2[%mul3A_43] : memref<163840xf32, #tpu.memory_space<hbm>> -> memref<10240xf32, #tpu.memory_space<hbm>>
    tpu.wait_dma2 semaphore(%arg14 : memref<!tpu.dma_semaphore, #tpu.memory_space<semaphore_mem>>) src(%dma_wait3A_138 : memref<10240xf32, #tpu.memory_space<hbm>>) dst(%dma_wait3A_137 : memref<10240xf32, #tpu.memory_space<vmem>>)
    %dma_wait3A_139 = arith.constant 1 : i32
    %dma_wait3A_140 = arith.constant 0 : i32
    %dma_wait3A_141 = tpu.memref_slice %arg10[%dma_wait3A_139, %dma_wait3A_140] : memref<4x10240xf32, #tpu.memory_space<vmem>> -> memref<1x10240xf32, #tpu.memory_space<vmem>>
    %dma_wait3A_142 = tpu.memref_squeeze %dma_wait3A_141 : memref<1x10240xf32, #tpu.memory_space<vmem>> -> memref<10240xf32, #tpu.memory_space<vmem>>
    %dma_wait3A_143 = tpu.memref_slice %arg2[%mul3A_56] : memref<163840xf32, #tpu.memory_space<hbm>> -> memref<10240xf32, #tpu.memory_space<hbm>>
    %dma_wait3A_144 = arith.constant 0 : i32
    %dma_wait3A_145 = tpu.memref_slice %arg10[%dma_wait3A_139, %dma_wait3A_144] : memref<4x10240xf32, #tpu.memory_space<vmem>> -> memref<1x10240xf32, #tpu.memory_space<vmem>>
    %dma_wait3A_146 = tpu.memref_squeeze %dma_wait3A_145 : memref<1x10240xf32, #tpu.memory_space<vmem>> -> memref<10240xf32, #tpu.memory_space<vmem>>
    %dma_wait3A_147 = tpu.memref_slice %arg2[%mul3A_56] : memref<163840xf32, #tpu.memory_space<hbm>> -> memref<10240xf32, #tpu.memory_space<hbm>>
    tpu.wait_dma2 semaphore(%arg14 : memref<!tpu.dma_semaphore, #tpu.memory_space<semaphore_mem>>) src(%dma_wait3A_147 : memref<10240xf32, #tpu.memory_space<hbm>>) dst(%dma_wait3A_146 : memref<10240xf32, #tpu.memory_space<vmem>>)
    %dma_wait3A_148 = arith.constant 2 : i32
    %dma_wait3A_149 = arith.constant 0 : i32
    %dma_wait3A_150 = tpu.memref_slice %arg10[%dma_wait3A_148, %dma_wait3A_149] : memref<4x10240xf32, #tpu.memory_space<vmem>> -> memref<1x10240xf32, #tpu.memory_space<vmem>>
    %dma_wait3A_151 = tpu.memref_squeeze %dma_wait3A_150 : memref<1x10240xf32, #tpu.memory_space<vmem>> -> memref<10240xf32, #tpu.memory_space<vmem>>
    %dma_wait3A_152 = tpu.memref_slice %arg2[%mul3A_69] : memref<163840xf32, #tpu.memory_space<hbm>> -> memref<10240xf32, #tpu.memory_space<hbm>>
    %dma_wait3A_153 = arith.constant 0 : i32
    %dma_wait3A_154 = tpu.memref_slice %arg10[%dma_wait3A_148, %dma_wait3A_153] : memref<4x10240xf32, #tpu.memory_space<vmem>> -> memref<1x10240xf32, #tpu.memory_space<vmem>>
    %dma_wait3A_155 = tpu.memref_squeeze %dma_wait3A_154 : memref<1x10240xf32, #tpu.memory_space<vmem>> -> memref<10240xf32, #tpu.memory_space<vmem>>
    %dma_wait3A_156 = tpu.memref_slice %arg2[%mul3A_69] : memref<163840xf32, #tpu.memory_space<hbm>> -> memref<10240xf32, #tpu.memory_space<hbm>>
    tpu.wait_dma2 semaphore(%arg14 : memref<!tpu.dma_semaphore, #tpu.memory_space<semaphore_mem>>) src(%dma_wait3A_156 : memref<10240xf32, #tpu.memory_space<hbm>>) dst(%dma_wait3A_155 : memref<10240xf32, #tpu.memory_space<vmem>>)
    %dma_wait3A_157 = arith.constant 3 : i32
    %dma_wait3A_158 = arith.constant 0 : i32
    %dma_wait3A_159 = tpu.memref_slice %arg10[%dma_wait3A_157, %dma_wait3A_158] : memref<4x10240xf32, #tpu.memory_space<vmem>> -> memref<1x10240xf32, #tpu.memory_space<vmem>>
    %dma_wait3A_160 = tpu.memref_squeeze %dma_wait3A_159 : memref<1x10240xf32, #tpu.memory_space<vmem>> -> memref<10240xf32, #tpu.memory_space<vmem>>
    %dma_wait3A_161 = tpu.memref_slice %arg2[%mul3A_82] : memref<163840xf32, #tpu.memory_space<hbm>> -> memref<10240xf32, #tpu.memory_space<hbm>>
    %dma_wait3A_162 = arith.constant 0 : i32
    %dma_wait3A_163 = tpu.memref_slice %arg10[%dma_wait3A_157, %dma_wait3A_162] : memref<4x10240xf32, #tpu.memory_space<vmem>> -> memref<1x10240xf32, #tpu.memory_space<vmem>>
    %dma_wait3A_164 = tpu.memref_squeeze %dma_wait3A_163 : memref<1x10240xf32, #tpu.memory_space<vmem>> -> memref<10240xf32, #tpu.memory_space<vmem>>
    %dma_wait3A_165 = tpu.memref_slice %arg2[%mul3A_82] : memref<163840xf32, #tpu.memory_space<hbm>> -> memref<10240xf32, #tpu.memory_space<hbm>>
    tpu.wait_dma2 semaphore(%arg14 : memref<!tpu.dma_semaphore, #tpu.memory_space<semaphore_mem>>) src(%dma_wait3A_165 : memref<10240xf32, #tpu.memory_space<hbm>>) dst(%dma_wait3A_164 : memref<10240xf32, #tpu.memory_space<vmem>>)
    %dma_wait3A_166 = arith.constant 0 : i32
    %dma_wait3A_167 = arith.constant 0 : i32
    %dma_wait3A_168 = tpu.memref_slice %arg12[%dma_wait3A_166, %dma_wait3A_167] : memref<2x4000xi32, #tpu.memory_space<vmem>> -> memref<1x4000xi32, #tpu.memory_space<vmem>>
    %dma_wait3A_169 = tpu.memref_squeeze %dma_wait3A_168 : memref<1x4000xi32, #tpu.memory_space<vmem>> -> memref<4000xi32, #tpu.memory_space<vmem>>
    %dma_wait3A_170 = tpu.memref_slice %arg4[%mul3A_96] : memref<640000xi32, #tpu.memory_space<hbm>> -> memref<4000xi32, #tpu.memory_space<hbm>>
    %dma_wait3A_171 = arith.constant 0 : i32
    %dma_wait3A_172 = tpu.memref_slice %arg12[%dma_wait3A_166, %dma_wait3A_171] : memref<2x4000xi32, #tpu.memory_space<vmem>> -> memref<1x4000xi32, #tpu.memory_space<vmem>>
    %dma_wait3A_173 = tpu.memref_squeeze %dma_wait3A_172 : memref<1x4000xi32, #tpu.memory_space<vmem>> -> memref<4000xi32, #tpu.memory_space<vmem>>
    %dma_wait3A_174 = tpu.memref_slice %arg4[%mul3A_96] : memref<640000xi32, #tpu.memory_space<hbm>> -> memref<4000xi32, #tpu.memory_space<hbm>>
    tpu.wait_dma2 semaphore(%arg15 : memref<!tpu.dma_semaphore, #tpu.memory_space<semaphore_mem>>) src(%dma_wait3A_174 : memref<4000xi32, #tpu.memory_space<hbm>>) dst(%dma_wait3A_173 : memref<4000xi32, #tpu.memory_space<vmem>>)
    %dma_wait3A_175 = arith.constant 0 : i32
    %dma_wait3A_176 = arith.constant 0 : i32
    %dma_wait3A_177 = tpu.memref_slice %arg13[%dma_wait3A_175, %dma_wait3A_176] : memref<2x4000xi32, #tpu.memory_space<vmem>> -> memref<1x4000xi32, #tpu.memory_space<vmem>>
    %dma_wait3A_178 = tpu.memref_squeeze %dma_wait3A_177 : memref<1x4000xi32, #tpu.memory_space<vmem>> -> memref<4000xi32, #tpu.memory_space<vmem>>
    %dma_wait3A_179 = tpu.memref_slice %arg4[%add3A_107] : memref<640000xi32, #tpu.memory_space<hbm>> -> memref<4000xi32, #tpu.memory_space<hbm>>
    %dma_wait3A_180 = arith.constant 0 : i32
    %dma_wait3A_181 = tpu.memref_slice %arg13[%dma_wait3A_175, %dma_wait3A_180] : memref<2x4000xi32, #tpu.memory_space<vmem>> -> memref<1x4000xi32, #tpu.memory_space<vmem>>
    %dma_wait3A_182 = tpu.memref_squeeze %dma_wait3A_181 : memref<1x4000xi32, #tpu.memory_space<vmem>> -> memref<4000xi32, #tpu.memory_space<vmem>>
    %dma_wait3A_183 = tpu.memref_slice %arg4[%add3A_107] : memref<640000xi32, #tpu.memory_space<hbm>> -> memref<4000xi32, #tpu.memory_space<hbm>>
    tpu.wait_dma2 semaphore(%arg15 : memref<!tpu.dma_semaphore, #tpu.memory_space<semaphore_mem>>) src(%dma_wait3A_183 : memref<4000xi32, #tpu.memory_space<hbm>>) dst(%dma_wait3A_182 : memref<4000xi32, #tpu.memory_space<vmem>>)
    %scan3A_184 = arith.constant 0 : i32
    %scan3A_185 = arith.constant 0 : i32
    %scan3A_186 = arith.constant 10 : i32
    %scan3A_187 = arith.addi %scan3A_185, %scan3A_186 : i32
    %scan3A_188 = arith.constant 1 : i32
    scf.for %scan3A_317 = %scan3A_185 to %scan3A_187 step %scan3A_188  : i32 {
      %rem3A_318 = arith.constant 2 : i32
      %rem3A_319 = arith.remsi %scan3A_317, %rem3A_318 : i32
      %sub3A_320 = arith.constant 1 : i32
      %sub3A_321 = arith.subi %sub3A_320, %rem3A_319 : i32
      %add3A_322 = arith.constant 1 : i32
      %add3A_323 = arith.addi %scan3A_317, %add3A_322 : i32
      %mul3A_324 = arith.constant 4000 : i32
      %mul3A_325 = arith.muli %add3A_323, %mul3A_324 : i32
      %add3A_326 = arith.addi %mul3A_96, %mul3A_325 : i32
      %add3A_327 = arith.constant 1 : i32
      %add3A_328 = arith.addi %scan3A_317, %add3A_327 : i32
      %lt3A_329 = arith.constant 10 : i32
      %lt3A_330 = arith.cmpi slt, %add3A_328, %lt3A_329 : i32
      %convert_element_type3A_331 = arith.extui %lt3A_330 : i1 to i32
      %cond3A_332 = arith.constant 0 : i32
      %cond3A_333 = arith.cmpi ne, %convert_element_type3A_331, %cond3A_332 : i32
      scf.if %cond3A_333 {
        %dma_start3A_343 = arith.constant 0 : i32
        %dma_start3A_344 = tpu.memref_slice %arg12[%sub3A_321, %dma_start3A_343] : memref<2x4000xi32, #tpu.memory_space<vmem>> -> memref<1x4000xi32, #tpu.memory_space<vmem>>
        %dma_start3A_345 = tpu.memref_squeeze %dma_start3A_344 : memref<1x4000xi32, #tpu.memory_space<vmem>> -> memref<4000xi32, #tpu.memory_space<vmem>>
        %dma_start3A_346 = tpu.memref_slice %arg4[%add3A_326] : memref<640000xi32, #tpu.memory_space<hbm>> -> memref<4000xi32, #tpu.memory_space<hbm>>
        %dma_start3A_347 = arith.constant 0 : i32
        %dma_start3A_348 = tpu.memref_slice %arg12[%sub3A_321, %dma_start3A_347] : memref<2x4000xi32, #tpu.memory_space<vmem>> -> memref<1x4000xi32, #tpu.memory_space<vmem>>
        %dma_start3A_349 = tpu.memref_squeeze %dma_start3A_348 : memref<1x4000xi32, #tpu.memory_space<vmem>> -> memref<4000xi32, #tpu.memory_space<vmem>>
        %dma_start3A_350 = tpu.memref_slice %arg4[%add3A_326] : memref<640000xi32, #tpu.memory_space<hbm>> -> memref<4000xi32, #tpu.memory_space<hbm>>
        tpu.enqueue_dma source(%dma_start3A_350 : memref<4000xi32, #tpu.memory_space<hbm>>) target(%dma_start3A_349 : memref<4000xi32, #tpu.memory_space<vmem>>) target_semaphore(%arg15 : memref<!tpu.dma_semaphore, #tpu.memory_space<semaphore_mem>>)
        %add3A_351 = arith.constant 320000 : i32
        %add3A_352 = arith.addi %add3A_351, %add3A_326 : i32
        %dma_start3A_353 = arith.constant 0 : i32
        %dma_start3A_354 = tpu.memref_slice %arg13[%sub3A_321, %dma_start3A_353] : memref<2x4000xi32, #tpu.memory_space<vmem>> -> memref<1x4000xi32, #tpu.memory_space<vmem>>
        %dma_start3A_355 = tpu.memref_squeeze %dma_start3A_354 : memref<1x4000xi32, #tpu.memory_space<vmem>> -> memref<4000xi32, #tpu.memory_space<vmem>>
        %dma_start3A_356 = tpu.memref_slice %arg4[%add3A_352] : memref<640000xi32, #tpu.memory_space<hbm>> -> memref<4000xi32, #tpu.memory_space<hbm>>
        %dma_start3A_357 = arith.constant 0 : i32
        %dma_start3A_358 = tpu.memref_slice %arg13[%sub3A_321, %dma_start3A_357] : memref<2x4000xi32, #tpu.memory_space<vmem>> -> memref<1x4000xi32, #tpu.memory_space<vmem>>
        %dma_start3A_359 = tpu.memref_squeeze %dma_start3A_358 : memref<1x4000xi32, #tpu.memory_space<vmem>> -> memref<4000xi32, #tpu.memory_space<vmem>>
        %dma_start3A_360 = tpu.memref_slice %arg4[%add3A_352] : memref<640000xi32, #tpu.memory_space<hbm>> -> memref<4000xi32, #tpu.memory_space<hbm>>
        tpu.enqueue_dma source(%dma_start3A_360 : memref<4000xi32, #tpu.memory_space<hbm>>) target(%dma_start3A_359 : memref<4000xi32, #tpu.memory_space<vmem>>) target_semaphore(%arg15 : memref<!tpu.dma_semaphore, #tpu.memory_space<semaphore_mem>>)
      } else {
      }
      %parallel_loop3A = arith.constant 0 : i32
      %parallel_loop3A_334 = arith.constant 250 : i32
      %parallel_loop3A_335 = arith.constant 1 : i32
      scf.for %parallel_loop3A_343 = %parallel_loop3A to %parallel_loop3A_334 step %parallel_loop3A_335  : i32 {
        %parallel_loop3A_344 = arith.constant 16 : i32
        %parallel_loop3A_345 = arith.muli %parallel_loop3A_343, %parallel_loop3A_344 : i32
        %parallel_loop3A_346 = arith.index_cast %rem3A_319 : i32 to index
        %parallel_loop3A_347 = arith.index_cast %parallel_loop3A_345 : i32 to index
        %parallel_loop3A_348 = tpu.vector_load %arg12[%parallel_loop3A_346, %parallel_loop3A_347] {strides = array<i32>} : memref<2x4000xi32, #tpu.memory_space<vmem>>, vector<16xi32>,
        %parallel_loop3A_349 = arith.index_cast %rem3A_319 : i32 to index
        %parallel_loop3A_350 = arith.index_cast %parallel_loop3A_345 : i32 to index
        %parallel_loop3A_351 = tpu.vector_load %arg13[%parallel_loop3A_349, %parallel_loop3A_350] {strides = array<i32>} : memref<2x4000xi32, #tpu.memory_space<vmem>>, vector<16xi32>,
        %parallel_loop3A_352 = tpu.vector_load_idx %arg7[%parallel_loop3A_348] : memref<10240xf32, #tpu.memory_space<vmem>>[vector<16xi32>], vector<16xf32>,
        %parallel_loop3A_353 = tpu.vector_load_idx %arg8[%parallel_loop3A_351] : memref<10240xf32, #tpu.memory_space<vmem>>[vector<16xi32>], vector<16xf32>,
        %parallel_loop3A_354 = arith.addf %parallel_loop3A_352, %parallel_loop3A_353 : vector<16xf32>
        %parallel_loop3A_355 = arith.constant 2.000000e-01 : f32
        %parallel_loop3A_356 = vector.broadcast %parallel_loop3A_355 : f32 to vector<16xf32>
        %parallel_loop3A_357 = arith.mulf %parallel_loop3A_356, %parallel_loop3A_354 : vector<16xf32>
        %parallel_loop3A_358 = arith.maximumf %parallel_loop3A_354, %parallel_loop3A_357 : vector<16xf32>
        %parallel_loop3A_359 = math.exp %parallel_loop3A_358 : vector<16xf32>
        tpu.vector_store_idx %arg9[%parallel_loop3A_351], %parallel_loop3A_359 {add = true} : memref<10240xf32, #tpu.memory_space<vmem>>[vector<16xi32>], vector<16xf32>,
        %parallel_loop3A_360 = arith.constant 0 : i32
        %parallel_loop3A_361 = arith.constant 0 : i32
        %parallel_loop3A_362 = tpu.memref_slice %arg10[%parallel_loop3A_360, %parallel_loop3A_361] : memref<4x10240xf32, #tpu.memory_space<vmem>> -> memref<1x10240xf32, #tpu.memory_space<vmem>>
        %parallel_loop3A_363 = tpu.memref_squeeze %parallel_loop3A_362 : memref<1x10240xf32, #tpu.memory_space<vmem>> -> memref<10240xf32, #tpu.memory_space<vmem>>
        %parallel_loop3A_364 = tpu.vector_load_idx %parallel_loop3A_363[%parallel_loop3A_348] : memref<10240xf32, #tpu.memory_space<vmem>>[vector<16xi32>], vector<16xf32>,
        %parallel_loop3A_365 = arith.mulf %parallel_loop3A_364, %parallel_loop3A_359 : vector<16xf32>
        %parallel_loop3A_366 = arith.constant 0 : i32
        %parallel_loop3A_367 = arith.constant 0 : i32
        %parallel_loop3A_368 = tpu.memref_slice %arg11[%parallel_loop3A_366, %parallel_loop3A_367] : memref<4x10240xf32, #tpu.memory_space<vmem>> -> memref<1x10240xf32, #tpu.memory_space<vmem>>
        %parallel_loop3A_369 = tpu.memref_squeeze %parallel_loop3A_368 : memref<1x10240xf32, #tpu.memory_space<vmem>> -> memref<10240xf32, #tpu.memory_space<vmem>>
        tpu.vector_store_idx %parallel_loop3A_369[%parallel_loop3A_351], %parallel_loop3A_365 {add = true} : memref<10240xf32, #tpu.memory_space<vmem>>[vector<16xi32>], vector<16xf32>,
        %parallel_loop3A_370 = arith.constant 1 : i32
        %parallel_loop3A_371 = arith.constant 0 : i32
        %parallel_loop3A_372 = tpu.memref_slice %arg10[%parallel_loop3A_370, %parallel_loop3A_371] : memref<4x10240xf32, #tpu.memory_space<vmem>> -> memref<1x10240xf32, #tpu.memory_space<vmem>>
        %parallel_loop3A_373 = tpu.memref_squeeze %parallel_loop3A_372 : memref<1x10240xf32, #tpu.memory_space<vmem>> -> memref<10240xf32, #tpu.memory_space<vmem>>
        %parallel_loop3A_374 = tpu.vector_load_idx %parallel_loop3A_373[%parallel_loop3A_348] : memref<10240xf32, #tpu.memory_space<vmem>>[vector<16xi32>], vector<16xf32>,
        %parallel_loop3A_375 = arith.mulf %parallel_loop3A_374, %parallel_loop3A_359 : vector<16xf32>
        %parallel_loop3A_376 = arith.constant 1 : i32
        %parallel_loop3A_377 = arith.constant 0 : i32
        %parallel_loop3A_378 = tpu.memref_slice %arg11[%parallel_loop3A_376, %parallel_loop3A_377] : memref<4x10240xf32, #tpu.memory_space<vmem>> -> memref<1x10240xf32, #tpu.memory_space<vmem>>
        %parallel_loop3A_379 = tpu.memref_squeeze %parallel_loop3A_378 : memref<1x10240xf32, #tpu.memory_space<vmem>> -> memref<10240xf32, #tpu.memory_space<vmem>>
        tpu.vector_store_idx %parallel_loop3A_379[%parallel_loop3A_351], %parallel_loop3A_375 {add = true} : memref<10240xf32, #tpu.memory_space<vmem>>[vector<16xi32>], vector<16xf32>,
        %parallel_loop3A_380 = arith.constant 2 : i32
        %parallel_loop3A_381 = arith.constant 0 : i32
        %parallel_loop3A_382 = tpu.memref_slice %arg10[%parallel_loop3A_380, %parallel_loop3A_381] : memref<4x10240xf32, #tpu.memory_space<vmem>> -> memref<1x10240xf32, #tpu.memory_space<vmem>>
        %parallel_loop3A_383 = tpu.memref_squeeze %parallel_loop3A_382 : memref<1x10240xf32, #tpu.memory_space<vmem>> -> memref<10240xf32, #tpu.memory_space<vmem>>
        %parallel_loop3A_384 = tpu.vector_load_idx %parallel_loop3A_383[%parallel_loop3A_348] : memref<10240xf32, #tpu.memory_space<vmem>>[vector<16xi32>], vector<16xf32>,
        %parallel_loop3A_385 = arith.mulf %parallel_loop3A_384, %parallel_loop3A_359 : vector<16xf32>
        %parallel_loop3A_386 = arith.constant 2 : i32
        %parallel_loop3A_387 = arith.constant 0 : i32
        %parallel_loop3A_388 = tpu.memref_slice %arg11[%parallel_loop3A_386, %parallel_loop3A_387] : memref<4x10240xf32, #tpu.memory_space<vmem>> -> memref<1x10240xf32, #tpu.memory_space<vmem>>
        %parallel_loop3A_389 = tpu.memref_squeeze %parallel_loop3A_388 : memref<1x10240xf32, #tpu.memory_space<vmem>> -> memref<10240xf32, #tpu.memory_space<vmem>>
        tpu.vector_store_idx %parallel_loop3A_389[%parallel_loop3A_351], %parallel_loop3A_385 {add = true} : memref<10240xf32, #tpu.memory_space<vmem>>[vector<16xi32>], vector<16xf32>,
        %parallel_loop3A_390 = arith.constant 3 : i32
        %parallel_loop3A_391 = arith.constant 0 : i32
        %parallel_loop3A_392 = tpu.memref_slice %arg10[%parallel_loop3A_390, %parallel_loop3A_391] : memref<4x10240xf32, #tpu.memory_space<vmem>> -> memref<1x10240xf32, #tpu.memory_space<vmem>>
        %parallel_loop3A_393 = tpu.memref_squeeze %parallel_loop3A_392 : memref<1x10240xf32, #tpu.memory_space<vmem>> -> memref<10240xf32, #tpu.memory_space<vmem>>
        %parallel_loop3A_394 = tpu.vector_load_idx %parallel_loop3A_393[%parallel_loop3A_348] : memref<10240xf32, #tpu.memory_space<vmem>>[vector<16xi32>], vector<16xf32>,
        %parallel_loop3A_395 = arith.mulf %parallel_loop3A_394, %parallel_loop3A_359 : vector<16xf32>
        %parallel_loop3A_396 = arith.constant 3 : i32
        %parallel_loop3A_397 = arith.constant 0 : i32
        %parallel_loop3A_398 = tpu.memref_slice %arg11[%parallel_loop3A_396, %parallel_loop3A_397] : memref<4x10240xf32, #tpu.memory_space<vmem>> -> memref<1x10240xf32, #tpu.memory_space<vmem>>
        %parallel_loop3A_399 = tpu.memref_squeeze %parallel_loop3A_398 : memref<1x10240xf32, #tpu.memory_space<vmem>> -> memref<10240xf32, #tpu.memory_space<vmem>>
        tpu.vector_store_idx %parallel_loop3A_399[%parallel_loop3A_351], %parallel_loop3A_395 {add = true} : memref<10240xf32, #tpu.memory_space<vmem>>[vector<16xi32>], vector<16xf32>,
      } {sc.loop_unroll_factor = 8 : i64, sc.parallel_access}
      %add3A_336 = arith.constant 1 : i32
      %add3A_337 = arith.addi %scan3A_317, %add3A_336 : i32
      %lt3A_338 = arith.constant 10 : i32
      %lt3A_339 = arith.cmpi slt, %add3A_337, %lt3A_338 : i32
      %convert_element_type3A_340 = arith.extui %lt3A_339 : i1 to i32
      %cond3A_341 = arith.constant 0 : i32
      %cond3A_342 = arith.cmpi ne, %convert_element_type3A_340, %cond3A_341 : i32
      scf.if %cond3A_342 {
        %dma_wait3A_343 = arith.constant 0 : i32
        %dma_wait3A_344 = tpu.memref_slice %arg12[%sub3A_321, %dma_wait3A_343] : memref<2x4000xi32, #tpu.memory_space<vmem>> -> memref<1x4000xi32, #tpu.memory_space<vmem>>
        %dma_wait3A_345 = tpu.memref_squeeze %dma_wait3A_344 : memref<1x4000xi32, #tpu.memory_space<vmem>> -> memref<4000xi32, #tpu.memory_space<vmem>>
        %dma_wait3A_346 = tpu.memref_slice %arg4[%add3A_326] : memref<640000xi32, #tpu.memory_space<hbm>> -> memref<4000xi32, #tpu.memory_space<hbm>>
        %dma_wait3A_347 = arith.constant 0 : i32
        %dma_wait3A_348 = tpu.memref_slice %arg12[%sub3A_321, %dma_wait3A_347] : memref<2x4000xi32, #tpu.memory_space<vmem>> -> memref<1x4000xi32, #tpu.memory_space<vmem>>
        %dma_wait3A_349 = tpu.memref_squeeze %dma_wait3A_348 : memref<1x4000xi32, #tpu.memory_space<vmem>> -> memref<4000xi32, #tpu.memory_space<vmem>>
        %dma_wait3A_350 = tpu.memref_slice %arg4[%add3A_326] : memref<640000xi32, #tpu.memory_space<hbm>> -> memref<4000xi32, #tpu.memory_space<hbm>>
        tpu.wait_dma2 semaphore(%arg15 : memref<!tpu.dma_semaphore, #tpu.memory_space<semaphore_mem>>) src(%dma_wait3A_350 : memref<4000xi32, #tpu.memory_space<hbm>>) dst(%dma_wait3A_349 : memref<4000xi32, #tpu.memory_space<vmem>>)
        %add3A_351 = arith.constant 320000 : i32
        %add3A_352 = arith.addi %add3A_351, %add3A_326 : i32
        %dma_wait3A_353 = arith.constant 0 : i32
        %dma_wait3A_354 = tpu.memref_slice %arg13[%sub3A_321, %dma_wait3A_353] : memref<2x4000xi32, #tpu.memory_space<vmem>> -> memref<1x4000xi32, #tpu.memory_space<vmem>>
        %dma_wait3A_355 = tpu.memref_squeeze %dma_wait3A_354 : memref<1x4000xi32, #tpu.memory_space<vmem>> -> memref<4000xi32, #tpu.memory_space<vmem>>
        %dma_wait3A_356 = tpu.memref_slice %arg4[%add3A_352] : memref<640000xi32, #tpu.memory_space<hbm>> -> memref<4000xi32, #tpu.memory_space<hbm>>
        %dma_wait3A_357 = arith.constant 0 : i32
        %dma_wait3A_358 = tpu.memref_slice %arg13[%sub3A_321, %dma_wait3A_357] : memref<2x4000xi32, #tpu.memory_space<vmem>> -> memref<1x4000xi32, #tpu.memory_space<vmem>>
        %dma_wait3A_359 = tpu.memref_squeeze %dma_wait3A_358 : memref<1x4000xi32, #tpu.memory_space<vmem>> -> memref<4000xi32, #tpu.memory_space<vmem>>
        %dma_wait3A_360 = tpu.memref_slice %arg4[%add3A_352] : memref<640000xi32, #tpu.memory_space<hbm>> -> memref<4000xi32, #tpu.memory_space<hbm>>
        tpu.wait_dma2 semaphore(%arg15 : memref<!tpu.dma_semaphore, #tpu.memory_space<semaphore_mem>>) src(%dma_wait3A_360 : memref<4000xi32, #tpu.memory_space<hbm>>) dst(%dma_wait3A_359 : memref<4000xi32, #tpu.memory_space<vmem>>)
      } else {
      }
    }
    %scan3A_189 = arith.constant 10 : i32
    %mul3A_190 = arith.constant 4 : i32
    %mul3A_191 = arith.muli %arg0, %mul3A_190 : i32
    %add3A_192 = arith.addi %mul3A_191, %select_n3A_9 : i32
    %add3A_193 = arith.constant 0 : i32
    %add3A_194 = arith.addi %mul3A_32, %add3A_193 : i32
    %dma_start3A_195 = arith.constant 0 : i32
    %dma_start3A_196 = arith.constant 0 : i32
    %dma_start3A_197 = tpu.memref_slice %arg11[%dma_start3A_195, %dma_start3A_196] : memref<4x10240xf32, #tpu.memory_space<vmem>> -> memref<1x10240xf32, #tpu.memory_space<vmem>>
    %dma_start3A_198 = tpu.memref_squeeze %dma_start3A_197 : memref<1x10240xf32, #tpu.memory_space<vmem>> -> memref<10240xf32, #tpu.memory_space<vmem>>
    %dma_start3A_199 = arith.constant 0 : i32
    %dma_start3A_200 = tpu.memref_slice %arg5[%add3A_192, %add3A_194, %dma_start3A_199] : memref<8x16x10240xf32, #tpu.memory_space<hbm>> -> memref<1x1x10240xf32, #tpu.memory_space<hbm>>
    %dma_start3A_201 = tpu.memref_squeeze %dma_start3A_200 : memref<1x1x10240xf32, #tpu.memory_space<hbm>> -> memref<10240xf32, #tpu.memory_space<hbm>>
    %dma_start3A_202 = arith.constant 0 : i32
    %dma_start3A_203 = tpu.memref_slice %arg5[%add3A_192, %add3A_194, %dma_start3A_202] : memref<8x16x10240xf32, #tpu.memory_space<hbm>> -> memref<1x1x10240xf32, #tpu.memory_space<hbm>>
    %dma_start3A_204 = tpu.memref_squeeze %dma_start3A_203 : memref<1x1x10240xf32, #tpu.memory_space<hbm>> -> memref<10240xf32, #tpu.memory_space<hbm>>
    %dma_start3A_205 = arith.constant 0 : i32
    %dma_start3A_206 = tpu.memref_slice %arg11[%dma_start3A_195, %dma_start3A_205] : memref<4x10240xf32, #tpu.memory_space<vmem>> -> memref<1x10240xf32, #tpu.memory_space<vmem>>
    %dma_start3A_207 = tpu.memref_squeeze %dma_start3A_206 : memref<1x10240xf32, #tpu.memory_space<vmem>> -> memref<10240xf32, #tpu.memory_space<vmem>>
    tpu.enqueue_dma source(%dma_start3A_207 : memref<10240xf32, #tpu.memory_space<vmem>>) target(%dma_start3A_204 : memref<10240xf32, #tpu.memory_space<hbm>>) target_semaphore(%arg14 : memref<!tpu.dma_semaphore, #tpu.memory_space<semaphore_mem>>)
    %mul3A_208 = arith.constant 4 : i32
    %mul3A_209 = arith.muli %arg0, %mul3A_208 : i32
    %add3A_210 = arith.addi %mul3A_209, %select_n3A_9 : i32
    %add3A_211 = arith.constant 1 : i32
    %add3A_212 = arith.addi %mul3A_32, %add3A_211 : i32
    %dma_start3A_213 = arith.constant 1 : i32
    %dma_start3A_214 = arith.constant 0 : i32
    %dma_start3A_215 = tpu.memref_slice %arg11[%dma_start3A_213, %dma_start3A_214] : memref<4x10240xf32, #tpu.memory_space<vmem>> -> memref<1x10240xf32, #tpu.memory_space<vmem>>
    %dma_start3A_216 = tpu.memref_squeeze %dma_start3A_215 : memref<1x10240xf32, #tpu.memory_space<vmem>> -> memref<10240xf32, #tpu.memory_space<vmem>>
    %dma_start3A_217 = arith.constant 0 : i32
    %dma_start3A_218 = tpu.memref_slice %arg5[%add3A_210, %add3A_212, %dma_start3A_217] : memref<8x16x10240xf32, #tpu.memory_space<hbm>> -> memref<1x1x10240xf32, #tpu.memory_space<hbm>>
    %dma_start3A_219 = tpu.memref_squeeze %dma_start3A_218 : memref<1x1x10240xf32, #tpu.memory_space<hbm>> -> memref<10240xf32, #tpu.memory_space<hbm>>
    %dma_start3A_220 = arith.constant 0 : i32
    %dma_start3A_221 = tpu.memref_slice %arg5[%add3A_210, %add3A_212, %dma_start3A_220] : memref<8x16x10240xf32, #tpu.memory_space<hbm>> -> memref<1x1x10240xf32, #tpu.memory_space<hbm>>
    %dma_start3A_222 = tpu.memref_squeeze %dma_start3A_221 : memref<1x1x10240xf32, #tpu.memory_space<hbm>> -> memref<10240xf32, #tpu.memory_space<hbm>>
    %dma_start3A_223 = arith.constant 0 : i32
    %dma_start3A_224 = tpu.memref_slice %arg11[%dma_start3A_213, %dma_start3A_223] : memref<4x10240xf32, #tpu.memory_space<vmem>> -> memref<1x10240xf32, #tpu.memory_space<vmem>>
    %dma_start3A_225 = tpu.memref_squeeze %dma_start3A_224 : memref<1x10240xf32, #tpu.memory_space<vmem>> -> memref<10240xf32, #tpu.memory_space<vmem>>
    tpu.enqueue_dma source(%dma_start3A_225 : memref<10240xf32, #tpu.memory_space<vmem>>) target(%dma_start3A_222 : memref<10240xf32, #tpu.memory_space<hbm>>) target_semaphore(%arg14 : memref<!tpu.dma_semaphore, #tpu.memory_space<semaphore_mem>>)
    %mul3A_226 = arith.constant 4 : i32
    %mul3A_227 = arith.muli %arg0, %mul3A_226 : i32
    %add3A_228 = arith.addi %mul3A_227, %select_n3A_9 : i32
    %add3A_229 = arith.constant 2 : i32
    %add3A_230 = arith.addi %mul3A_32, %add3A_229 : i32
    %dma_start3A_231 = arith.constant 2 : i32
    %dma_start3A_232 = arith.constant 0 : i32
    %dma_start3A_233 = tpu.memref_slice %arg11[%dma_start3A_231, %dma_start3A_232] : memref<4x10240xf32, #tpu.memory_space<vmem>> -> memref<1x10240xf32, #tpu.memory_space<vmem>>
    %dma_start3A_234 = tpu.memref_squeeze %dma_start3A_233 : memref<1x10240xf32, #tpu.memory_space<vmem>> -> memref<10240xf32, #tpu.memory_space<vmem>>
    %dma_start3A_235 = arith.constant 0 : i32
    %dma_start3A_236 = tpu.memref_slice %arg5[%add3A_228, %add3A_230, %dma_start3A_235] : memref<8x16x10240xf32, #tpu.memory_space<hbm>> -> memref<1x1x10240xf32, #tpu.memory_space<hbm>>
    %dma_start3A_237 = tpu.memref_squeeze %dma_start3A_236 : memref<1x1x10240xf32, #tpu.memory_space<hbm>> -> memref<10240xf32, #tpu.memory_space<hbm>>
    %dma_start3A_238 = arith.constant 0 : i32
    %dma_start3A_239 = tpu.memref_slice %arg5[%add3A_228, %add3A_230, %dma_start3A_238] : memref<8x16x10240xf32, #tpu.memory_space<hbm>> -> memref<1x1x10240xf32, #tpu.memory_space<hbm>>
    %dma_start3A_240 = tpu.memref_squeeze %dma_start3A_239 : memref<1x1x10240xf32, #tpu.memory_space<hbm>> -> memref<10240xf32, #tpu.memory_space<hbm>>
    %dma_start3A_241 = arith.constant 0 : i32
    %dma_start3A_242 = tpu.memref_slice %arg11[%dma_start3A_231, %dma_start3A_241] : memref<4x10240xf32, #tpu.memory_space<vmem>> -> memref<1x10240xf32, #tpu.memory_space<vmem>>
    %dma_start3A_243 = tpu.memref_squeeze %dma_start3A_242 : memref<1x10240xf32, #tpu.memory_space<vmem>> -> memref<10240xf32, #tpu.memory_space<vmem>>
    tpu.enqueue_dma source(%dma_start3A_243 : memref<10240xf32, #tpu.memory_space<vmem>>) target(%dma_start3A_240 : memref<10240xf32, #tpu.memory_space<hbm>>) target_semaphore(%arg14 : memref<!tpu.dma_semaphore, #tpu.memory_space<semaphore_mem>>)
    %mul3A_244 = arith.constant 4 : i32
    %mul3A_245 = arith.muli %arg0, %mul3A_244 : i32
    %add3A_246 = arith.addi %mul3A_245, %select_n3A_9 : i32
    %add3A_247 = arith.constant 3 : i32
    %add3A_248 = arith.addi %mul3A_32, %add3A_247 : i32
    %dma_start3A_249 = arith.constant 3 : i32
    %dma_start3A_250 = arith.constant 0 : i32
    %dma_start3A_251 = tpu.memref_slice %arg11[%dma_start3A_249, %dma_start3A_250] : memref<4x10240xf32, #tpu.memory_space<vmem>> -> memref<1x10240xf32, #tpu.memory_space<vmem>>
    %dma_start3A_252 = tpu.memref_squeeze %dma_start3A_251 : memref<1x10240xf32, #tpu.memory_space<vmem>> -> memref<10240xf32, #tpu.memory_space<vmem>>
    %dma_start3A_253 = arith.constant 0 : i32
    %dma_start3A_254 = tpu.memref_slice %arg5[%add3A_246, %add3A_248, %dma_start3A_253] : memref<8x16x10240xf32, #tpu.memory_space<hbm>> -> memref<1x1x10240xf32, #tpu.memory_space<hbm>>
    %dma_start3A_255 = tpu.memref_squeeze %dma_start3A_254 : memref<1x1x10240xf32, #tpu.memory_space<hbm>> -> memref<10240xf32, #tpu.memory_space<hbm>>
    %dma_start3A_256 = arith.constant 0 : i32
    %dma_start3A_257 = tpu.memref_slice %arg5[%add3A_246, %add3A_248, %dma_start3A_256] : memref<8x16x10240xf32, #tpu.memory_space<hbm>> -> memref<1x1x10240xf32, #tpu.memory_space<hbm>>
    %dma_start3A_258 = tpu.memref_squeeze %dma_start3A_257 : memref<1x1x10240xf32, #tpu.memory_space<hbm>> -> memref<10240xf32, #tpu.memory_space<hbm>>
    %dma_start3A_259 = arith.constant 0 : i32
    %dma_start3A_260 = tpu.memref_slice %arg11[%dma_start3A_249, %dma_start3A_259] : memref<4x10240xf32, #tpu.memory_space<vmem>> -> memref<1x10240xf32, #tpu.memory_space<vmem>>
    %dma_start3A_261 = tpu.memref_squeeze %dma_start3A_260 : memref<1x10240xf32, #tpu.memory_space<vmem>> -> memref<10240xf32, #tpu.memory_space<vmem>>
    tpu.enqueue_dma source(%dma_start3A_261 : memref<10240xf32, #tpu.memory_space<vmem>>) target(%dma_start3A_258 : memref<10240xf32, #tpu.memory_space<hbm>>) target_semaphore(%arg14 : memref<!tpu.dma_semaphore, #tpu.memory_space<semaphore_mem>>)
    %eq3A_262 = arith.constant 0 : i32
    %eq3A_263 = arith.cmpi eq, %select_n3A_30, %eq3A_262 : i32
    %convert_element_type3A = arith.extui %eq3A_263 : i1 to i32
    %cond3A = arith.constant 0 : i32
    %cond3A_264 = arith.cmpi ne, %convert_element_type3A, %cond3A : i32
    scf.if %cond3A_264 {
      %mul3A_317 = arith.constant 4 : i32
      %mul3A_318 = arith.muli %arg0, %mul3A_317 : i32
      %add3A_319 = arith.addi %mul3A_318, %select_n3A_9 : i32
      %dma_start3A_320 = arith.constant 0 : i32
      %dma_start3A_321 = tpu.memref_slice %arg6[%add3A_319, %dma_start3A_320] : memref<8x10240xf32, #tpu.memory_space<hbm>> -> memref<1x10240xf32, #tpu.memory_space<hbm>>
      %dma_start3A_322 = tpu.memref_squeeze %dma_start3A_321 : memref<1x10240xf32, #tpu.memory_space<hbm>> -> memref<10240xf32, #tpu.memory_space<hbm>>
      %dma_start3A_323 = arith.constant 0 : i32
      %dma_start3A_324 = tpu.memref_slice %arg6[%add3A_319, %dma_start3A_323] : memref<8x10240xf32, #tpu.memory_space<hbm>> -> memref<1x10240xf32, #tpu.memory_space<hbm>>
      %dma_start3A_325 = tpu.memref_squeeze %dma_start3A_324 : memref<1x10240xf32, #tpu.memory_space<hbm>> -> memref<10240xf32, #tpu.memory_space<hbm>>
      tpu.enqueue_dma source(%arg9 : memref<10240xf32, #tpu.memory_space<vmem>>) target(%dma_start3A_325 : memref<10240xf32, #tpu.memory_space<hbm>>) target_semaphore(%arg14 : memref<!tpu.dma_semaphore, #tpu.memory_space<semaphore_mem>>)
      %dma_wait3A_326 = arith.constant 0 : i32
      %dma_wait3A_327 = tpu.memref_slice %arg6[%add3A_319, %dma_wait3A_326] : memref<8x10240xf32, #tpu.memory_space<hbm>> -> memref<1x10240xf32, #tpu.memory_space<hbm>>
      %dma_wait3A_328 = tpu.memref_squeeze %dma_wait3A_327 : memref<1x10240xf32, #tpu.memory_space<hbm>> -> memref<10240xf32, #tpu.memory_space<hbm>>
      %dma_wait3A_329 = arith.constant 0 : i32
      %dma_wait3A_330 = tpu.memref_slice %arg6[%add3A_319, %dma_wait3A_329] : memref<8x10240xf32, #tpu.memory_space<hbm>> -> memref<1x10240xf32, #tpu.memory_space<hbm>>
      %dma_wait3A_331 = tpu.memref_squeeze %dma_wait3A_330 : memref<1x10240xf32, #tpu.memory_space<hbm>> -> memref<10240xf32, #tpu.memory_space<hbm>>
      tpu.wait_dma2 semaphore(%arg14 : memref<!tpu.dma_semaphore, #tpu.memory_space<semaphore_mem>>) src(%arg9 : memref<10240xf32, #tpu.memory_space<vmem>>) dst(%dma_wait3A_331 : memref<10240xf32, #tpu.memory_space<hbm>>)
    } else {
    }
    %dma_wait3A_265 = arith.constant 0 : i32
    %dma_wait3A_266 = arith.constant 0 : i32
    %dma_wait3A_267 = tpu.memref_slice %arg11[%dma_wait3A_265, %dma_wait3A_266] : memref<4x10240xf32, #tpu.memory_space<vmem>> -> memref<1x10240xf32, #tpu.memory_space<vmem>>
    %dma_wait3A_268 = tpu.memref_squeeze %dma_wait3A_267 : memref<1x10240xf32, #tpu.memory_space<vmem>> -> memref<10240xf32, #tpu.memory_space<vmem>>
    %dma_wait3A_269 = arith.constant 0 : i32
    %dma_wait3A_270 = tpu.memref_slice %arg5[%add3A_192, %add3A_194, %dma_wait3A_269] : memref<8x16x10240xf32, #tpu.memory_space<hbm>> -> memref<1x1x10240xf32, #tpu.memory_space<hbm>>
    %dma_wait3A_271 = tpu.memref_squeeze %dma_wait3A_270 : memref<1x1x10240xf32, #tpu.memory_space<hbm>> -> memref<10240xf32, #tpu.memory_space<hbm>>
    %dma_wait3A_272 = arith.constant 0 : i32
    %dma_wait3A_273 = tpu.memref_slice %arg5[%add3A_192, %add3A_194, %dma_wait3A_272] : memref<8x16x10240xf32, #tpu.memory_space<hbm>> -> memref<1x1x10240xf32, #tpu.memory_space<hbm>>
    %dma_wait3A_274 = tpu.memref_squeeze %dma_wait3A_273 : memref<1x1x10240xf32, #tpu.memory_space<hbm>> -> memref<10240xf32, #tpu.memory_space<hbm>>
    %dma_wait3A_275 = arith.constant 0 : i32
    %dma_wait3A_276 = tpu.memref_slice %arg11[%dma_wait3A_265, %dma_wait3A_275] : memref<4x10240xf32, #tpu.memory_space<vmem>> -> memref<1x10240xf32, #tpu.memory_space<vmem>>
    %dma_wait3A_277 = tpu.memref_squeeze %dma_wait3A_276 : memref<1x10240xf32, #tpu.memory_space<vmem>> -> memref<10240xf32, #tpu.memory_space<vmem>>
    tpu.wait_dma2 semaphore(%arg14 : memref<!tpu.dma_semaphore, #tpu.memory_space<semaphore_mem>>) src(%dma_wait3A_277 : memref<10240xf32, #tpu.memory_space<vmem>>) dst(%dma_wait3A_274 : memref<10240xf32, #tpu.memory_space<hbm>>)
    %dma_wait3A_278 = arith.constant 1 : i32
    %dma_wait3A_279 = arith.constant 0 : i32
    %dma_wait3A_280 = tpu.memref_slice %arg11[%dma_wait3A_278, %dma_wait3A_279] : memref<4x10240xf32, #tpu.memory_space<vmem>> -> memref<1x10240xf32, #tpu.memory_space<vmem>>
    %dma_wait3A_281 = tpu.memref_squeeze %dma_wait3A_280 : memref<1x10240xf32, #tpu.memory_space<vmem>> -> memref<10240xf32, #tpu.memory_space<vmem>>
    %dma_wait3A_282 = arith.constant 0 : i32
    %dma_wait3A_283 = tpu.memref_slice %arg5[%add3A_210, %add3A_212, %dma_wait3A_282] : memref<8x16x10240xf32, #tpu.memory_space<hbm>> -> memref<1x1x10240xf32, #tpu.memory_space<hbm>>
    %dma_wait3A_284 = tpu.memref_squeeze %dma_wait3A_283 : memref<1x1x10240xf32, #tpu.memory_space<hbm>> -> memref<10240xf32, #tpu.memory_space<hbm>>
    %dma_wait3A_285 = arith.constant 0 : i32
    %dma_wait3A_286 = tpu.memref_slice %arg5[%add3A_210, %add3A_212, %dma_wait3A_285] : memref<8x16x10240xf32, #tpu.memory_space<hbm>> -> memref<1x1x10240xf32, #tpu.memory_space<hbm>>
    %dma_wait3A_287 = tpu.memref_squeeze %dma_wait3A_286 : memref<1x1x10240xf32, #tpu.memory_space<hbm>> -> memref<10240xf32, #tpu.memory_space<hbm>>
    %dma_wait3A_288 = arith.constant 0 : i32
    %dma_wait3A_289 = tpu.memref_slice %arg11[%dma_wait3A_278, %dma_wait3A_288] : memref<4x10240xf32, #tpu.memory_space<vmem>> -> memref<1x10240xf32, #tpu.memory_space<vmem>>
    %dma_wait3A_290 = tpu.memref_squeeze %dma_wait3A_289 : memref<1x10240xf32, #tpu.memory_space<vmem>> -> memref<10240xf32, #tpu.memory_space<vmem>>
    tpu.wait_dma2 semaphore(%arg14 : memref<!tpu.dma_semaphore, #tpu.memory_space<semaphore_mem>>) src(%dma_wait3A_290 : memref<10240xf32, #tpu.memory_space<vmem>>) dst(%dma_wait3A_287 : memref<10240xf32, #tpu.memory_space<hbm>>)
    %dma_wait3A_291 = arith.constant 2 : i32
    %dma_wait3A_292 = arith.constant 0 : i32
    %dma_wait3A_293 = tpu.memref_slice %arg11[%dma_wait3A_291, %dma_wait3A_292] : memref<4x10240xf32, #tpu.memory_space<vmem>> -> memref<1x10240xf32, #tpu.memory_space<vmem>>
    %dma_wait3A_294 = tpu.memref_squeeze %dma_wait3A_293 : memref<1x10240xf32, #tpu.memory_space<vmem>> -> memref<10240xf32, #tpu.memory_space<vmem>>
    %dma_wait3A_295 = arith.constant 0 : i32
    %dma_wait3A_296 = tpu.memref_slice %arg5[%add3A_228, %add3A_230, %dma_wait3A_295] : memref<8x16x10240xf32, #tpu.memory_space<hbm>> -> memref<1x1x10240xf32, #tpu.memory_space<hbm>>
    %dma_wait3A_297 = tpu.memref_squeeze %dma_wait3A_296 : memref<1x1x10240xf32, #tpu.memory_space<hbm>> -> memref<10240xf32, #tpu.memory_space<hbm>>
    %dma_wait3A_298 = arith.constant 0 : i32
    %dma_wait3A_299 = tpu.memref_slice %arg5[%add3A_228, %add3A_230, %dma_wait3A_298] : memref<8x16x10240xf32, #tpu.memory_space<hbm>> -> memref<1x1x10240xf32, #tpu.memory_space<hbm>>
    %dma_wait3A_300 = tpu.memref_squeeze %dma_wait3A_299 : memref<1x1x10240xf32, #tpu.memory_space<hbm>> -> memref<10240xf32, #tpu.memory_space<hbm>>
    %dma_wait3A_301 = arith.constant 0 : i32
    %dma_wait3A_302 = tpu.memref_slice %arg11[%dma_wait3A_291, %dma_wait3A_301] : memref<4x10240xf32, #tpu.memory_space<vmem>> -> memref<1x10240xf32, #tpu.memory_space<vmem>>
    %dma_wait3A_303 = tpu.memref_squeeze %dma_wait3A_302 : memref<1x10240xf32, #tpu.memory_space<vmem>> -> memref<10240xf32, #tpu.memory_space<vmem>>
    tpu.wait_dma2 semaphore(%arg14 : memref<!tpu.dma_semaphore, #tpu.memory_space<semaphore_mem>>) src(%dma_wait3A_303 : memref<10240xf32, #tpu.memory_space<vmem>>) dst(%dma_wait3A_300 : memref<10240xf32, #tpu.memory_space<hbm>>)
    %dma_wait3A_304 = arith.constant 3 : i32
    %dma_wait3A_305 = arith.constant 0 : i32
    %dma_wait3A_306 = tpu.memref_slice %arg11[%dma_wait3A_304, %dma_wait3A_305] : memref<4x10240xf32, #tpu.memory_space<vmem>> -> memref<1x10240xf32, #tpu.memory_space<vmem>>
    %dma_wait3A_307 = tpu.memref_squeeze %dma_wait3A_306 : memref<1x10240xf32, #tpu.memory_space<vmem>> -> memref<10240xf32, #tpu.memory_space<vmem>>
    %dma_wait3A_308 = arith.constant 0 : i32
    %dma_wait3A_309 = tpu.memref_slice %arg5[%add3A_246, %add3A_248, %dma_wait3A_308] : memref<8x16x10240xf32, #tpu.memory_space<hbm>> -> memref<1x1x10240xf32, #tpu.memory_space<hbm>>
    %dma_wait3A_310 = tpu.memref_squeeze %dma_wait3A_309 : memref<1x1x10240xf32, #tpu.memory_space<hbm>> -> memref<10240xf32, #tpu.memory_space<hbm>>
    %dma_wait3A_311 = arith.constant 0 : i32
    %dma_wait3A_312 = tpu.memref_slice %arg5[%add3A_246, %add3A_248, %dma_wait3A_311] : memref<8x16x10240xf32, #tpu.memory_space<hbm>> -> memref<1x1x10240xf32, #tpu.memory_space<hbm>>
    %dma_wait3A_313 = tpu.memref_squeeze %dma_wait3A_312 : memref<1x1x10240xf32, #tpu.memory_space<hbm>> -> memref<10240xf32, #tpu.memory_space<hbm>>
    %dma_wait3A_314 = arith.constant 0 : i32
    %dma_wait3A_315 = tpu.memref_slice %arg11[%dma_wait3A_304, %dma_wait3A_314] : memref<4x10240xf32, #tpu.memory_space<vmem>> -> memref<1x10240xf32, #tpu.memory_space<vmem>>
    %dma_wait3A_316 = tpu.memref_squeeze %dma_wait3A_315 : memref<1x10240xf32, #tpu.memory_space<vmem>> -> memref<10240xf32, #tpu.memory_space<vmem>>
    tpu.wait_dma2 semaphore(%arg14 : memref<!tpu.dma_semaphore, #tpu.memory_space<semaphore_mem>>) src(%dma_wait3A_316 : memref<10240xf32, #tpu.memory_space<vmem>>) dst(%dma_wait3A_313 : memref<10240xf32, #tpu.memory_space<hbm>>)
    return
  }
}

module attributes {stable_mosaic.version = 14 : i64} {
  func.func @_proj_body(%arg0: memref<10000x128xf32, #tpu.memory_space<vmem>>, %arg1: memref<128x16xf32, #tpu.memory_space<vmem>>, %arg2: memref<16x1xf32, #tpu.memory_space<vmem>>, %arg3: memref<1x16xf32, #tpu.memory_space<vmem>>, %arg4: memref<1x16xf32, #tpu.memory_space<vmem>>, %arg5: memref<163840xf32, #tpu.memory_space<vmem>>, %arg6: memref<20480xf32, #tpu.memory_space<vmem>>) attributes {dimension_semantics = [], scalar_prefetch = 0 : i64, scratch_operands = 0 : i64, tpu.core_type = #tpu.core_type<tc>} {
    %get3A = arith.constant 0 : index
    %get3A_0 = arith.constant 0 : index
    %get3A_1 = vector.load %arg1[%get3A, %get3A_0] : memref<128x16xf32, #tpu.memory_space<vmem>>, vector<128x16xf32>
    %get3A_2 = arith.constant 0 : index
    %get3A_3 = arith.constant 0 : index
    %get3A_4 = vector.load %arg0[%get3A_2, %get3A_3] : memref<10000x128xf32, #tpu.memory_space<vmem>>, vector<10000x128xf32>
    %dot_general3A = arith.constant dense<0.000000e+00> : vector<16x10000xf32>
    %dot_general3A_5 = tpu.matmul %get3A_1, %get3A_4, %dot_general3A {dimension_numbers = #tpu.dot_dimension_numbers<[0], [1], [1], [0], [0, 1, 1, 0], [], []>, precision = #tpu.contract_precision<fp32>, transpose_lhs_hint = false} : vector<128x16xf32>, vector<10000x128xf32>, vector<16x10000xf32> -> vector<16x10000xf32>
    %get3A_6 = arith.constant 0 : index
    %get3A_7 = arith.constant 0 : index
    %get3A_8 = vector.load %arg2[%get3A_6, %get3A_7] : memref<16x1xf32, #tpu.memory_space<vmem>>, vector<16x1xf32>
    %add3A = vector.broadcast %get3A_8 : vector<16x1xf32> to vector<16x10000xf32>
    %add3A_9 = arith.addf %dot_general3A_5, %add3A : vector<16x10000xf32>
    %slice3A = vector.extract_strided_slice %add3A_9 {offsets = [0, 0], sizes = [1, 10000], strides = [1, 1]} : vector<16x10000xf32> to vector<1x10000xf32>
    %squeeze3A = vector.shape_cast %slice3A : vector<1x10000xf32> to vector<10000xf32>
    %swap3A = arith.constant 0 : index
    %swap3A_10 = vector.load %arg5[%swap3A] : memref<163840xf32, #tpu.memory_space<vmem>>, vector<10000xf32>
    tpu.vector_store %arg5[%swap3A], %squeeze3A {strides = array<i32>} : memref<163840xf32, #tpu.memory_space<vmem>>, vector<10000xf32>,
    %slice3A_11 = vector.extract_strided_slice %add3A_9 {offsets = [1, 0], sizes = [1, 10000], strides = [1, 1]} : vector<16x10000xf32> to vector<1x10000xf32>
    %squeeze3A_12 = vector.shape_cast %slice3A_11 : vector<1x10000xf32> to vector<10000xf32>
    %swap3A_13 = arith.constant 10240 : index
    %swap3A_14 = vector.load %arg5[%swap3A_13] : memref<163840xf32, #tpu.memory_space<vmem>>, vector<10000xf32>
    tpu.vector_store %arg5[%swap3A_13], %squeeze3A_12 {strides = array<i32>} : memref<163840xf32, #tpu.memory_space<vmem>>, vector<10000xf32>,
    %slice3A_15 = vector.extract_strided_slice %add3A_9 {offsets = [2, 0], sizes = [1, 10000], strides = [1, 1]} : vector<16x10000xf32> to vector<1x10000xf32>
    %squeeze3A_16 = vector.shape_cast %slice3A_15 : vector<1x10000xf32> to vector<10000xf32>
    %swap3A_17 = arith.constant 20480 : index
    %swap3A_18 = vector.load %arg5[%swap3A_17] : memref<163840xf32, #tpu.memory_space<vmem>>, vector<10000xf32>
    tpu.vector_store %arg5[%swap3A_17], %squeeze3A_16 {strides = array<i32>} : memref<163840xf32, #tpu.memory_space<vmem>>, vector<10000xf32>,
    %slice3A_19 = vector.extract_strided_slice %add3A_9 {offsets = [3, 0], sizes = [1, 10000], strides = [1, 1]} : vector<16x10000xf32> to vector<1x10000xf32>
    %squeeze3A_20 = vector.shape_cast %slice3A_19 : vector<1x10000xf32> to vector<10000xf32>
    %swap3A_21 = arith.constant 30720 : index
    %swap3A_22 = vector.load %arg5[%swap3A_21] : memref<163840xf32, #tpu.memory_space<vmem>>, vector<10000xf32>
    tpu.vector_store %arg5[%swap3A_21], %squeeze3A_20 {strides = array<i32>} : memref<163840xf32, #tpu.memory_space<vmem>>, vector<10000xf32>,
    %slice3A_23 = vector.extract_strided_slice %add3A_9 {offsets = [4, 0], sizes = [1, 10000], strides = [1, 1]} : vector<16x10000xf32> to vector<1x10000xf32>
    %squeeze3A_24 = vector.shape_cast %slice3A_23 : vector<1x10000xf32> to vector<10000xf32>
    %swap3A_25 = arith.constant 40960 : index
    %swap3A_26 = vector.load %arg5[%swap3A_25] : memref<163840xf32, #tpu.memory_space<vmem>>, vector<10000xf32>
    tpu.vector_store %arg5[%swap3A_25], %squeeze3A_24 {strides = array<i32>} : memref<163840xf32, #tpu.memory_space<vmem>>, vector<10000xf32>,
    %slice3A_27 = vector.extract_strided_slice %add3A_9 {offsets = [5, 0], sizes = [1, 10000], strides = [1, 1]} : vector<16x10000xf32> to vector<1x10000xf32>
    %squeeze3A_28 = vector.shape_cast %slice3A_27 : vector<1x10000xf32> to vector<10000xf32>
    %swap3A_29 = arith.constant 51200 : index
    %swap3A_30 = vector.load %arg5[%swap3A_29] : memref<163840xf32, #tpu.memory_space<vmem>>, vector<10000xf32>
    tpu.vector_store %arg5[%swap3A_29], %squeeze3A_28 {strides = array<i32>} : memref<163840xf32, #tpu.memory_space<vmem>>, vector<10000xf32>,
    %slice3A_31 = vector.extract_strided_slice %add3A_9 {offsets = [6, 0], sizes = [1, 10000], strides = [1, 1]} : vector<16x10000xf32> to vector<1x10000xf32>
    %squeeze3A_32 = vector.shape_cast %slice3A_31 : vector<1x10000xf32> to vector<10000xf32>
    %swap3A_33 = arith.constant 61440 : index
    %swap3A_34 = vector.load %arg5[%swap3A_33] : memref<163840xf32, #tpu.memory_space<vmem>>, vector<10000xf32>
    tpu.vector_store %arg5[%swap3A_33], %squeeze3A_32 {strides = array<i32>} : memref<163840xf32, #tpu.memory_space<vmem>>, vector<10000xf32>,
    %slice3A_35 = vector.extract_strided_slice %add3A_9 {offsets = [7, 0], sizes = [1, 10000], strides = [1, 1]} : vector<16x10000xf32> to vector<1x10000xf32>
    %squeeze3A_36 = vector.shape_cast %slice3A_35 : vector<1x10000xf32> to vector<10000xf32>
    %swap3A_37 = arith.constant 71680 : index
    %swap3A_38 = vector.load %arg5[%swap3A_37] : memref<163840xf32, #tpu.memory_space<vmem>>, vector<10000xf32>
    tpu.vector_store %arg5[%swap3A_37], %squeeze3A_36 {strides = array<i32>} : memref<163840xf32, #tpu.memory_space<vmem>>, vector<10000xf32>,
    %slice3A_39 = vector.extract_strided_slice %add3A_9 {offsets = [8, 0], sizes = [1, 10000], strides = [1, 1]} : vector<16x10000xf32> to vector<1x10000xf32>
    %squeeze3A_40 = vector.shape_cast %slice3A_39 : vector<1x10000xf32> to vector<10000xf32>
    %swap3A_41 = arith.constant 81920 : index
    %swap3A_42 = vector.load %arg5[%swap3A_41] : memref<163840xf32, #tpu.memory_space<vmem>>, vector<10000xf32>
    tpu.vector_store %arg5[%swap3A_41], %squeeze3A_40 {strides = array<i32>} : memref<163840xf32, #tpu.memory_space<vmem>>, vector<10000xf32>,
    %slice3A_43 = vector.extract_strided_slice %add3A_9 {offsets = [9, 0], sizes = [1, 10000], strides = [1, 1]} : vector<16x10000xf32> to vector<1x10000xf32>
    %squeeze3A_44 = vector.shape_cast %slice3A_43 : vector<1x10000xf32> to vector<10000xf32>
    %swap3A_45 = arith.constant 92160 : index
    %swap3A_46 = vector.load %arg5[%swap3A_45] : memref<163840xf32, #tpu.memory_space<vmem>>, vector<10000xf32>
    tpu.vector_store %arg5[%swap3A_45], %squeeze3A_44 {strides = array<i32>} : memref<163840xf32, #tpu.memory_space<vmem>>, vector<10000xf32>,
    %slice3A_47 = vector.extract_strided_slice %add3A_9 {offsets = [10, 0], sizes = [1, 10000], strides = [1, 1]} : vector<16x10000xf32> to vector<1x10000xf32>
    %squeeze3A_48 = vector.shape_cast %slice3A_47 : vector<1x10000xf32> to vector<10000xf32>
    %swap3A_49 = arith.constant 102400 : index
    %swap3A_50 = vector.load %arg5[%swap3A_49] : memref<163840xf32, #tpu.memory_space<vmem>>, vector<10000xf32>
    tpu.vector_store %arg5[%swap3A_49], %squeeze3A_48 {strides = array<i32>} : memref<163840xf32, #tpu.memory_space<vmem>>, vector<10000xf32>,
    %slice3A_51 = vector.extract_strided_slice %add3A_9 {offsets = [11, 0], sizes = [1, 10000], strides = [1, 1]} : vector<16x10000xf32> to vector<1x10000xf32>
    %squeeze3A_52 = vector.shape_cast %slice3A_51 : vector<1x10000xf32> to vector<10000xf32>
    %swap3A_53 = arith.constant 112640 : index
    %swap3A_54 = vector.load %arg5[%swap3A_53] : memref<163840xf32, #tpu.memory_space<vmem>>, vector<10000xf32>
    tpu.vector_store %arg5[%swap3A_53], %squeeze3A_52 {strides = array<i32>} : memref<163840xf32, #tpu.memory_space<vmem>>, vector<10000xf32>,
    %slice3A_55 = vector.extract_strided_slice %add3A_9 {offsets = [12, 0], sizes = [1, 10000], strides = [1, 1]} : vector<16x10000xf32> to vector<1x10000xf32>
    %squeeze3A_56 = vector.shape_cast %slice3A_55 : vector<1x10000xf32> to vector<10000xf32>
    %swap3A_57 = arith.constant 122880 : index
    %swap3A_58 = vector.load %arg5[%swap3A_57] : memref<163840xf32, #tpu.memory_space<vmem>>, vector<10000xf32>
    tpu.vector_store %arg5[%swap3A_57], %squeeze3A_56 {strides = array<i32>} : memref<163840xf32, #tpu.memory_space<vmem>>, vector<10000xf32>,
    %slice3A_59 = vector.extract_strided_slice %add3A_9 {offsets = [13, 0], sizes = [1, 10000], strides = [1, 1]} : vector<16x10000xf32> to vector<1x10000xf32>
    %squeeze3A_60 = vector.shape_cast %slice3A_59 : vector<1x10000xf32> to vector<10000xf32>
    %swap3A_61 = arith.constant 133120 : index
    %swap3A_62 = vector.load %arg5[%swap3A_61] : memref<163840xf32, #tpu.memory_space<vmem>>, vector<10000xf32>
    tpu.vector_store %arg5[%swap3A_61], %squeeze3A_60 {strides = array<i32>} : memref<163840xf32, #tpu.memory_space<vmem>>, vector<10000xf32>,
    %slice3A_63 = vector.extract_strided_slice %add3A_9 {offsets = [14, 0], sizes = [1, 10000], strides = [1, 1]} : vector<16x10000xf32> to vector<1x10000xf32>
    %squeeze3A_64 = vector.shape_cast %slice3A_63 : vector<1x10000xf32> to vector<10000xf32>
    %swap3A_65 = arith.constant 143360 : index
    %swap3A_66 = vector.load %arg5[%swap3A_65] : memref<163840xf32, #tpu.memory_space<vmem>>, vector<10000xf32>
    tpu.vector_store %arg5[%swap3A_65], %squeeze3A_64 {strides = array<i32>} : memref<163840xf32, #tpu.memory_space<vmem>>, vector<10000xf32>,
    %slice3A_67 = vector.extract_strided_slice %add3A_9 {offsets = [15, 0], sizes = [1, 10000], strides = [1, 1]} : vector<16x10000xf32> to vector<1x10000xf32>
    %squeeze3A_68 = vector.shape_cast %slice3A_67 : vector<1x10000xf32> to vector<10000xf32>
    %swap3A_69 = arith.constant 153600 : index
    %swap3A_70 = vector.load %arg5[%swap3A_69] : memref<163840xf32, #tpu.memory_space<vmem>>, vector<10000xf32>
    tpu.vector_store %arg5[%swap3A_69], %squeeze3A_68 {strides = array<i32>} : memref<163840xf32, #tpu.memory_space<vmem>>, vector<10000xf32>,
    %get3A_71 = arith.constant 0 : index
    %get3A_72 = arith.constant 0 : index
    %get3A_73 = vector.load %arg3[%get3A_71, %get3A_72] : memref<1x16xf32, #tpu.memory_space<vmem>>, vector<1x16xf32>
    %get3A_74 = arith.constant 0 : index
    %get3A_75 = arith.constant 0 : index
    %get3A_76 = vector.load %arg4[%get3A_74, %get3A_75] : memref<1x16xf32, #tpu.memory_space<vmem>>, vector<1x16xf32>
    %concatenate3A = tpu.concatenate %get3A_73, %get3A_76 in 0 : vector<1x16xf32>, vector<1x16xf32> -> vector<2x16xf32>
    %dot_general3A_77 = arith.constant dense<0.000000e+00> : vector<2x10000xf32>
    %dot_general3A_78 = tpu.matmul %concatenate3A, %add3A_9, %dot_general3A_77 {dimension_numbers = #tpu.dot_dimension_numbers<[1], [0], [0], [1], [0, 0, 1, 1], [], []>, precision = #tpu.contract_precision<fp32>, transpose_lhs_hint = false} : vector<2x16xf32>, vector<16x10000xf32>, vector<2x10000xf32> -> vector<2x10000xf32>
    %slice3A_79 = vector.extract_strided_slice %dot_general3A_78 {offsets = [0, 0], sizes = [1, 10000], strides = [1, 1]} : vector<2x10000xf32> to vector<1x10000xf32>
    %squeeze3A_80 = vector.shape_cast %slice3A_79 : vector<1x10000xf32> to vector<10000xf32>
    %swap3A_81 = arith.constant 0 : index
    %swap3A_82 = vector.load %arg6[%swap3A_81] : memref<20480xf32, #tpu.memory_space<vmem>>, vector<10000xf32>
    tpu.vector_store %arg6[%swap3A_81], %squeeze3A_80 {strides = array<i32>} : memref<20480xf32, #tpu.memory_space<vmem>>, vector<10000xf32>,
    %slice3A_83 = vector.extract_strided_slice %dot_general3A_78 {offsets = [1, 0], sizes = [1, 10000], strides = [1, 1]} : vector<2x10000xf32> to vector<1x10000xf32>
    %squeeze3A_84 = vector.shape_cast %slice3A_83 : vector<1x10000xf32> to vector<10000xf32>
    %swap3A_85 = arith.constant 10240 : index
    %swap3A_86 = vector.load %arg6[%swap3A_85] : memref<20480xf32, #tpu.memory_space<vmem>>, vector<10000xf32>
    tpu.vector_store %arg6[%swap3A_85], %squeeze3A_84 {strides = array<i32>} : memref<20480xf32, #tpu.memory_space<vmem>>, vector<10000xf32>,
    return
  }
}

module attributes {stable_mosaic.version = 14 : i64} {
  func.func @_combine_body(%arg0: memref<8x16x10240xf32, #tpu.memory_space<vmem>>, %arg1: memref<8x10240xf32, #tpu.memory_space<vmem>>, %arg2: memref<16x1xf32, #tpu.memory_space<vmem>>, %arg3: memref<1x1xf32, #tpu.memory_space<vmem>>, %arg4: memref<1x1xf32, #tpu.memory_space<vmem>>) attributes {dimension_semantics = [], scalar_prefetch = 0 : i64, scratch_operands = 0 : i64, tpu.core_type = #tpu.core_type<tc>} {
    %get3A = arith.constant 0 : index
    %get3A_0 = arith.constant 0 : index
    %get3A_1 = arith.constant 0 : index
    %get3A_2 = vector.load %arg0[%get3A, %get3A_0, %get3A_1] : memref<8x16x10240xf32, #tpu.memory_space<vmem>>, vector<8x16x10240xf32>
    %reduce_sum3A = arith.constant dense<0.000000e+00> : vector<16x10240xf32>
    %reduce_sum3A_3 = vector.multi_reduction <add>, %get3A_2, %reduce_sum3A [0] : vector<8x16x10240xf32> to vector<16x10240xf32>
    %get3A_4 = arith.constant 0 : index
    %get3A_5 = arith.constant 0 : index
    %get3A_6 = vector.load %arg1[%get3A_4, %get3A_5] : memref<8x10240xf32, #tpu.memory_space<vmem>>, vector<8x10240xf32>
    %reduce_sum3A_7 = arith.constant dense<0.000000e+00> : vector<10240xf32>
    %reduce_sum3A_8 = vector.multi_reduction <add>, %get3A_6, %reduce_sum3A_7 [0] : vector<8x10240xf32> to vector<10240xf32>
    %broadcast_in_dim3A = vector.shape_cast %reduce_sum3A_8 : vector<10240xf32> to vector<1x10240xf32>
    %add3A = arith.constant 1.000000e-16 : f32
    %add3A_9 = vector.broadcast %add3A : f32 to vector<1x10240xf32>
    %add3A_10 = arith.addf %broadcast_in_dim3A, %add3A_9 : vector<1x10240xf32>
    %div3A = arith.constant 1.000000e+00 : f32
    %div3A_11 = vector.broadcast %div3A : f32 to vector<1x10240xf32>
    %div3A_12 = arith.divf %div3A_11, %add3A_10 : vector<1x10240xf32>
    %mul3A = vector.broadcast %div3A_12 : vector<1x10240xf32> to vector<16x10240xf32>
    %mul3A_13 = arith.mulf %reduce_sum3A_3, %mul3A : vector<16x10240xf32>
    %max3A = arith.constant 0.000000e+00 : f32
    %max3A_14 = vector.broadcast %max3A : f32 to vector<16x10240xf32>
    %max3A_15 = arith.maximumf %mul3A_13, %max3A_14 : vector<16x10240xf32>
    %iota3A = tpu.iota {dimensions = array<i32: 1>} : vector<1x10240xi32>
    %lt3A = arith.constant 10000 : i32
    %lt3A_16 = vector.broadcast %lt3A : i32 to vector<1x10240xi32>
    %lt3A_17 = arith.cmpi slt, %iota3A, %lt3A_16 : vector<1x10240xi32>
    %jit3A = arith.constant 0.000000e+00 : f32
    %broadcast_in_dim3A_18 = vector.shape_cast %lt3A_17 : vector<1x10240xi1> to vector<1x10240xi1>
    %broadcast_in_dim3A_19 = vector.broadcast %broadcast_in_dim3A_18 : vector<1x10240xi1> to vector<16x10240xi1>
    %broadcast_in_dim3A_20 = vector.broadcast %jit3A : f32 to vector<16x10240xf32>
    %select_n3A = arith.select %broadcast_in_dim3A_19, %max3A_15, %broadcast_in_dim3A_20 : vector<16x10240xi1>, vector<16x10240xf32>
    %reduce_sum3A_21 = arith.constant dense<0.000000e+00> : vector<16xf32>
    %reduce_sum3A_22 = vector.multi_reduction <add>, %select_n3A, %reduce_sum3A_21 [1] : vector<16x10240xf32> to vector<16xf32>
    %broadcast_in_dim3A_23 = vector.shape_cast %reduce_sum3A_22 : vector<16xf32> to vector<16x1xf32>
    %get3A_24 = arith.constant 0 : index
    %get3A_25 = arith.constant 0 : index
    %get3A_26 = vector.load %arg2[%get3A_24, %get3A_25] : memref<16x1xf32, #tpu.memory_space<vmem>>, vector<16x1xf32>
    %dot_general3A = arith.constant dense<0.000000e+00> : vector<1x1xf32>
    %dot_general3A_27 = tpu.matmul %broadcast_in_dim3A_23, %get3A_26, %dot_general3A {dimension_numbers = #tpu.dot_dimension_numbers<[0], [0], [1], [1], [0, 1, 1, 1], [], []>, precision = #tpu.contract_precision<fp32>, transpose_lhs_hint = false} : vector<16x1xf32>, vector<16x1xf32>, vector<1x1xf32> -> vector<1x1xf32>
    %get3A_28 = arith.constant 0 : index
    %get3A_29 = arith.constant 0 : index
    %get3A_30 = vector.load %arg3[%get3A_28, %get3A_29] : memref<1x1xf32, #tpu.memory_space<vmem>>, vector<1x1xf32>
    %add3A_31 = arith.addf %dot_general3A_27, %get3A_30 : vector<1x1xf32>
    %swap3A = arith.constant 0 : index
    %swap3A_32 = arith.constant 0 : index
    %swap3A_33 = vector.load %arg4[%swap3A, %swap3A_32] : memref<1x1xf32, #tpu.memory_space<vmem>>, vector<1x1xf32>
    tpu.vector_store %arg4[%swap3A, %swap3A_32], %add3A_31 {strides = array<i32>} : memref<1x1xf32, #tpu.memory_space<vmem>>, vector<1x1xf32>,
    return
  }
}

</mosaic_0001>

<sc_bundles>
// kernel: kernel.5.cloned.1.call-start
scs
__scs_entry_jumppad:
0x0: {  	(pc) =	sbr.rel $0x88, $3  }
0x1: {  	(tag) =	ssettag $0x0;
	lr =	simm.s32 $0x1  }
0x2: {  	[smem:$0x3F99] =	sst lr;
	_ =	strace $0xD0000000  }
0x3: {  	_ = 	snop  }
0x4: {  	_ = 	snop  }
0x5: {  	_ = 	snop  }
0x6: {  	_ = 	snop  }
0x7: {  	_ = 	snop  }
__scs_overlays_trampoline_lowered:
0x8: {  	[smem:$0x3FA8] =	sst s0  }
0x9: {  	[smem:$0x3FA9] =	sst s1  }
0xa: {  	[smem:$0x3FAA] =	sst s2  }
0xb: {  	[smem:$0x3FAB] =	sst s3  }
0xc: {  	[smem:$0x3FAC] =	sst s4  }
0xd: {  	[smem:$0x3FAD] =	sst s5  }
0xe: {  	[smem:$0x3FAE] =	sst s6  }
0xf: {  	[smem:$0x3FAF] =	sst s7  }
0x10: {  	[smem:$0x3FB0] =	sst s8  }
0x11: {  	[smem:$0x3FB1] =	sst s9;
	s0 =	simm.s32 @!p0 $0x0  }
0x12: {  	s1 =	sld [smem:$0x3F97];
	s0 =	simm.s32 @p0 $0x1  }
0x13: {  	[smem:$0x3FB2] =	sst s0;
	s0 =	simm.s32 @!p1 $0x0  }
0x14: {  	s2 =	sld [smem:$0x3F96];
	s0 =	simm.s32 @p1 $0x1  }
0x15: {  	[smem:$0x3FB3] =	sst s0;
	s0 =	simm.s32 @!p2 $0x0  }
0x16: {  	s3 =	sld [smem:$0x3FDB];
	s0 =	simm.s32 @p2 $0x1  }
0x17: {  	s4 =	simm.s32 $0x1BF5;
	[smem:$0x3FB5] =	sst s0  }
0x18: {  	s0 =	sld [smem:$0x3F98];
	_ =	swait.ge [sflag:s4], $0x0  }
0x19: {  	s7 =	sld [smem:$0x3F99]  }
0x1a: {  	s8 =	sadd.s32 $0xFFFFE003, lr  }
0x1b: {  	s9 =	sadd.s32 $0xFFFFFEF7, lr;
	s5 =	simm.s32 $0xFFFFFFFF;
	p2 =	slt.u32 s8, $0xFFFFF086  }
0x1c: {  	p1 =	slt.u32 s9, $0xF7A;
	s5 =	simm.s32 @!p2 $0x0  }
0x1d: {  	s5 =	simm.s32 @p1 $0x1;
	p0 =	seq.s32 s7, s2  }
0x1e: {  	s7 =	smul.u32 @!p0 $0xF7A, s2;
	p2 =	seq.s32 @!p0 s5, $0x0  }
0x1f: {  	s9 =	smul.u32 $0xF7A, s1;
	s8 =	simm.s32 @!p0 $0x1BF5;
	p2 =	por !p2, p0  }
0x20: {  	[sflag:s8] =	ssyncset.s32 @!p0 $0xFFFFF086;
	s6 =	sadd.s32 @!p0 s3, s7;
	s7 =	simm.s32 @!p0 $0x108  }
0x21: {  	s3 =	sadd.s32 s3, s9;
	s6 =	sadd.s32 @!p0 $0x88, s6;
	s7 =	simm.s32 @p2 $0x1082  }
0x22: {  	[simem:s7], [sflag:s8] =	dma.local @!p0 [hbm:s6], $0xF7A  }
0x23: {  	s9 =	sor.u32 $0xD0000000, s2;
	s6 =	simm.s32 $0x108;
	_ =	swait.ge @!p0 [sflag:s8], $0x0  }
0x24: {  	s3 =	sadd.s32 $0x88, s3;
	s6 =	simm.s32 @!p1 $0x1082;
	[sflag:s4] =	ssyncset.s32 $0xFFFFF086  }
0x25: {  	[simem:s6], [sflag:s4] =	dma.local [hbm:s3], $0xF7A  }
0x26: {  	[smem:$0x3F99] =	sst s1;
	(tag) =	ssettag s2;
	_ =	strace s9  }
0x27: {  	s1 =	sld [smem:$0x3FA9]  }
0x28: {  	s2 =	sld [smem:$0x3FAA]  }
0x29: {  	s4 =	sld [smem:$0x3FAC]  }
0x2a: {  	p0 =	seq.s32 s5, $0x0;
	s5 =	sld [smem:$0x3FAD]  }
0x2b: {  	s6 =	sld [smem:$0x3FAE]  }
0x2c: {  	s7 =	sld [smem:$0x3FAF]  }
0x2d: {  	s3 =	simm.s32 $0x108;
	s8 =	sld [smem:$0x3FB0]  }
0x2e: {  	s3 =	simm.s32 @!p0 $0x1082;
	s9 =	sld [smem:$0x3FB1]  }
0x2f: {  	lr =	sadd.s32 s0, s3;
	s0 =	sld [smem:$0x3FA8]  }
0x30: {  	s3 =	sld [smem:$0x3FAB]  }
0x31: {  	[smem:$0x3FB4] =	sst s10  }
0x32: {  	s10 =	sld [smem:$0x3FB2];
	_ =	sdelay $0x3  }
0x33: {  	p0 =	seq.s32 s10, $0x1;
	s10 =	sld [smem:$0x3FB4];
	_ =	sdelay $0x3  }
0x34: {  	[smem:$0x3FB4] =	sst s10  }
0x35: {  	s10 =	sld [smem:$0x3FB3];
	_ =	sdelay $0x3  }
0x36: {  	p1 =	seq.s32 s10, $0x1;
	s10 =	sld [smem:$0x3FB4];
	_ =	sdelay $0x3  }
0x37: {  	[smem:$0x3FB4] =	sst s10  }
0x38: {  	s10 =	sld [smem:$0x3FB5]  }
0x39: {  	_ = 	snop;
	(pc) =	sbr.ind lr, $3  }
0x3a: {  	_ = 	snop  }
0x3b: {  	_ = 	snop  }
0x3c: {  	p2 =	seq.s32 s10, $0x1;
	s10 =	sld [smem:$0x3FB4]  }
0x3d: {  	_ =	shalt  }
0x3e: {  	_ =	shalt  }
0x3f: {  	_ =	shalt  }
0x40: {  	_ =	shalt  }
0x41: {  	_ =	shalt  }
0x42: {  	_ =	shalt  }
0x43: {  	_ =	shalt  }
0x44: {  	_ =	shalt  }
0x45: {  	_ =	shalt  }
0x46: {  	_ =	shalt  }
0x47: {  	_ =	shalt  }
0x48: {  	_ =	shalt  }
0x49: {  	_ =	shalt  }
0x4a: {  	_ =	shalt  }
0x4b: {  	_ =	shalt  }
0x4c: {  	_ =	shalt  }
0x4d: {  	_ =	shalt  }
0x4e: {  	_ =	shalt  }
0x4f: {  	_ =	shalt  }
0x50: {  	_ =	shalt  }
0x51: {  	_ =	shalt  }
0x52: {  	_ =	shalt  }
0x53: {  	_ =	shalt  }
0x54: {  	_ =	shalt  }
0x55: {  	_ =	shalt  }
0x56: {  	_ =	shalt  }
0x57: {  	_ =	shalt  }
0x58: {  	_ =	shalt  }
0x59: {  	_ =	shalt  }
0x5a: {  	_ =	shalt  }
0x5b: {  	_ =	shalt  }
0x5c: {  	_ =	shalt  }
0x5d: {  	_ =	shalt  }
0x5e: {  	_ =	shalt  }
0x5f: {  	_ =	shalt  }
0x60: {  	_ =	shalt  }
0x61: {  	_ =	shalt  }
0x62: {  	_ =	shalt  }
0x63: {  	_ =	shalt  }
0x64: {  	_ =	shalt  }
0x65: {  	_ =	shalt  }
0x66: {  	_ =	shalt  }
0x67: {  	_ =	shalt  }
0x68: {  	_ =	shalt  }
0x69: {  	_ =	shalt  }
0x6a: {  	_ =	shalt  }
0x6b: {  	_ =	shalt  }
0x6c: {  	_ =	shalt  }
0x6d: {  	_ =	shalt  }
0x6e: {  	_ =	shalt  }
0x6f: {  	_ =	shalt  }
0x70: {  	_ =	shalt  }
0x71: {  	_ =	shalt  }
0x72: {  	_ =	shalt  }
0x73: {  	_ =	shalt  }
0x74: {  	_ =	shalt  }
0x75: {  	_ =	shalt  }
0x76: {  	_ =	shalt  }
0x77: {  	_ =	shalt  }
0x78: {  	_ =	shalt  }
0x79: {  	_ =	shalt  }
0x7a: {  	_ =	shalt  }
0x7b: {  	_ =	shalt  }
0x7c: {  	_ =	shalt  }
0x7d: {  	_ =	shalt  }
0x7e: {  	_ =	shalt  }
0x7f: {  	_ =	shalt  }
0x80: {  	_ =	shalt  }
0x81: {  	_ =	shalt  }
0x82: {  	_ =	shalt  }
0x83: {  	_ =	shalt  }
0x84: {  	_ =	shalt  }
0x85: {  	_ =	shalt  }
0x86: {  	_ =	shalt  }
0x87: {  	_ =	shalt  }
.Lfunc_end0:
.L_simem_size_0:
called_computation_lowered:
.L_overlay_start_0:
0x88: {  	s2 =	sld [smem:$0x3FD9]  }
0x89: {  	s3 =	sld [smem:$0x3FFE];
	_ =	sdelay $0x1  }
0x8a: {  	s1 =	srdreg.scid  }
0x8b: {  	s0 =	sand.u32 $0x1, s1  }
0x8c: {  	s16 =	sshll.u32 s0, $0xA;
	s2 =	sadd.s32 s3, s2  }
0x8d: {  	s2 =	sadd.s32 s2, s16  }
0x8e: {  	[smem:$0x3FC0] =	sst s2  }
0x8f: {  	_ = 	snop  }
0x90: {  	(tm) =	ssettm $0x1  }
0x91: {  	s17 =	sld [smem:$0x3FFB];
	_ =	sdelay $0x3  }
0x92: {  	_ =	strace s17  }
0x93: {  	s2 =	sld [smem:$0x3FFC];
	_ =	sdelay $0x3  }
0x94: {  	_ =	strace s2  }
0x95: {  	s2 =	sld [smem:$0x3FFD];
	_ =	sdelay $0x3  }
0x96: {  	_ =	strace s2  }
0x97: {  	_ =	strace $0x8FFFFFFF  }
0x98: {  	s18 =	sld [smem:$0x3FDB];
	_ =	sdelay $0x1  }
0x99: {  	s19 =	simm.s32 $_scs_section_size  }
0x9a: {  	s4 =	simm.s32 $_size__tile_overlayer_lowered;
	s5 =	simm.s32 $_tile_overlayer_lowered  }
0x9b: {  	s22 =	simm.s32 $0x1BFF;
	s21 =	sshll.u32 s5, $0x1;
	s2 =	sadd.s32 s19, s18  }
0x9c: {  	s6 =	simm.s32 $0x0;
	s20 =	sshll.u32 s4, $0x1;
	s4 =	sadd.s32 s21, s2  }
0x9d: {  	[timem:s6], [sflag:s22] =	dma.local [hbm:s4], s20  }
0x9e: {  	_ =	swait.ge [sflag:s22], s20  }
0x9f: {  	s3 =	ssub.s32 $0x0, s20;
	[sflag:s22] =	ssyncset.done $0x0  }
0xa0: {  	[sflag:s22] =	ssyncadd.s32 s3;
	_ =	sdelay $0x1  }
0xa1: {  	s23 =	simm.s32 $0x1B8B  }
0xa2: {  	_ =	swait.ge [sflag:s23], $0x1  }
0xa3: {  	[sflag:s23] =	ssyncset.done $0x0  }
0xa4: {  	s25 =	simm.s32 $0x1B8E;
	s24 =	sld [smem:$0x3FFE];
	[sflag:s23] =	ssyncadd.s32 $0xFFFFFFFF  }
0xa5: {  	s26 =	simm.s32 $execute0_lowered;
	[smem:$0x3FD2] =	sst s25  }
0xa6: {  	s4 =	sshll.u32 s26, $0x1;
	_ =	strace $0x80000046;
	[dreg:$0x1] =	wrdreg $0xFFFFFFFF  }
0xa7: {  	s28 =	simm.s32 $_size_execute0_lowered;
	s2 =	sadd.s32 s2, s4;
	[dreg:$0x0] =	wrdreg $0x0  }
0xa8: {  	s4 =	sshll.u32 s28, $0x1;
	[dreg:$0x2] =	wrdreg s2  }
0xa9: {  	[dreg:$0x3] =	wrdreg s4  }
0xaa: {  	[dreg:$0x4] =	wrdreg $0xC0  }
0xab: {  	_ =	task [dreg:s6], $0x5FFFF  }
0xac: {  	[dreg:$0x1] =	wrdreg $0xFFFFFFFF  }
0xad: {  	[dreg:$0x0] =	wrdreg $0x60  }
0xae: {  	[dreg:$0x2] =	wrdreg s24  }
0xaf: {  	[dreg:$0x3] =	wrdreg $0x9  }
0xb0: {  	_ =	task.clear_ibuf [dreg:s6], $0x4FFFF;
	_ =	strace $0x90000046  }
0xb1: {  	s29 =	simm.s32 $0x9;
	_ =	strace $0x80000048  }
0xb2: {  	_ =	swait.ge [sflag:s29], $0x1  }
0xb3: {  	[sflag:s29] =	ssyncadd.s32 $0xFFFFFFFF  }
0xb4: {  	_ =	strace $0x90000048  }
0xb5: {  	_ =	sfence  }
0xb6: {  	s30 =	sld [smem:$0x0];
	_ =	sdelay $0x2  }
0xb7: {  	s31 =	sshll.u32 s1, $0xD;
	s1 =	sshrl.u32 s1, $0x2  }
0xb8: {  	s3 =	sand.u32 $0x4000, s31;
	s1 =	sadd.s32 s1, s30  }
0xb9: {  	s0 =	sor.u32 s3, s0;
	s1 =	sshll.u32 s1, $0x11  }
0xba: {  	s0 =	sor.u32 s1, s0  }
0xbb: {  	s0 =	sadd.s32 $0x8F2B, s0  }
0xbc: {  	[sflag:s0] =	ssyncadd.remote.s32 $0x1  }
0xbd: {  	_ =	sfence.sel $0xFFFF  }
0xbe: {  	[dreg:$0x0] =	wrdreg $0xFFFFFFFF;
	(pc) =	sbr.abs _section_cstart, $3  }
0xbf: {  	[dreg:$0x1] =	wrdreg $0xFFFFFFFF  }
0xc0: {  	_ =	task.clear_ibuf [dreg:s6], $0x2FFFF;
	_ =	strace $0x9FFFFFFF  }
0xc1: {  	(tm) =	ssettm $0x7FFFFFFF  }
tec
execute0_lowered:
.L_overlay_start_1:
0x0: {  	(tag) =	ssettag $0x1  }
0x1: {  	s0 =	rddreg [dreg:$0x0];
	s1 =	srdreg.scid  }
0x2: {  	s2 =	simm.s32 $0x0;
	s8 =	stileid.u32;
	s28 =	simm.s32 $0x2  }
0x3: {  	s29 =	simm.s32 $0x5000;
	s30 =	simm.s32 $0x11800;
	s31 =	simm.s32 $0x14000  }
0x4: {  	s1 =	sand.u32 $0x1, s1;
	[smem:$0x7FF] =	sst s2;
	s3 =	sand.u32 $0x3, s8  }
0x5: {  	s5 =	sadd.s32 $0x15200, s0;
	s13 =	sadd.s32 $0x1A200, s0;
	s7 =	sadd.s32 $0x1AC00, s0  }
0x6: {  	s8 =	sshrl.u32 s8, $0x2;
	s4 =	sshll.u32 s1, $0x2;
	_ =	strace $0x80000047  }
0x7: {  	[dreg:$0x2] =	wrdreg s13;
	s1 =	ssub.s32 $0x2, s1;
	s10 =	smul.u32 $0xA000, s8  }
0x8: {  	s15 =	smul.u32 $0x1400, s8;
	p0 =	sne.s32 s8, $0x0;
	s3 =	sor.u32 s3, s4  }
0x9: {  	s4 =	sadd.s32 $0x1800, s0;
	s14 =	sshrl.u32 s1, $0x1;
	s6 =	smul.u32 $0x500, s3  }
0xa: {  	s1 =	ssub.s32 s1, s14;
	s11 =	sadd.s32 $0x2800, s10;
	s12 =	sadd.s32 $0x5000, s10  }
0xb: {  	s18 =	sadd.s32 $0x7800, s10;
	s13 =	sshrl.u32 s11, $0x3;
	s14 =	sshrl.u32 s12, $0x3  }
0xc: {  	s9 =	sadd.s32 s6, s0;
	s0 =	sadd.s32 $0x1A700, s0;
	s6 =	smul.u32 $0x9C40, s3  }
0xd: {  	s3 =	smul.u32 $0x28000, s3;
	s16 =	sadd.s32 s5, s13;
	[dreg:$0x3] =	wrdreg s0  }
0xe: {  	s17 =	sadd.s32 s5, s14;
	s0 =	sadd.s32 s5, s15;
	[dreg:$0x5] =	wrdreg s16  }
0xf: {  	[dreg:$0x6] =	wrdreg s17;
	s15 =	sshrl.u32 s18, $0x3;
	s17 =	sadd.s32 $0x42C00, s9  }
0x10: {  	[dreg:$0x4] =	wrdreg s0;
	s19 =	sshrl.u32 s6, $0x3;
	s20 =	sadd.s32 s10, s3  }
0x11: {  	s5 =	sadd.s32 s5, s15;
	s23 =	sadd.s32 s11, s3;
	s24 =	sadd.s32 s12, s3  }
0x12: {  	s0 =	sadd.s32 s18, s3;
	s18 =	smax.u32 s1, $0x1;
	s1 =	simm.s32 $0x19000  }
0x13: {  	s10 =	sadd.s32 s4, s19;
	s21 =	sshrl.u32 s20, $0x3;
	[dreg:$0x7] =	wrdreg s5  }
0x14: {  	s25 =	sshrl.u32 s23, $0x3;
	s26 =	sshrl.u32 s24, $0x3;
	s0 =	sshrl.u32 s0, $0x3  }
0x15: {  	s19 =	simm.s32 $0x2800;
	s20 =	simm.s32 $0x7800;
	s23 =	simm.s32 $0xF000  }
0x16: {  	s24 =	simm.s32 $0x0;
	s22 =	sadd.s32 $0x9C40, s10;
	s13 =	sadd.s32 s7, s21  }
0x17: {  	s14 =	sadd.s32 s7, s25;
	s15 =	sadd.s32 s7, s26;
	s16 =	sadd.s32 s7, s0  }
0x18: {  	s21 =	simm.s32 $0xA000;
	s26 =	simm.s32 $0x1;
	s0 =	simm.s32 $0x16800  }
0x19: {  	v0 =	vimm.f32 $0.0e+00;
	s25 =	simm.s32 $0x0;
	[dreg:$0x8] =	wrdreg s22;
	s22 =	simm.s32 $0xC800  }
.LBB2_1:
0x1a: {  	s3 =	rddreg [dreg:$0x2]  }
0x1b: {  	[tilespmem:s2], [sflag:$0x1] =	stream.linear.gather [hbm4b:s3+s2], $0x2800, $0x38;
	[tilespmem:$0x1F680] =	vst v63  }
0x1c: {  	s12 =	rddreg [dreg:$0x3]  }
0x1d: {  	[tilespmem:s19], [sflag:$0x1] =	stream.linear.gather [hbm4b:s12+s2], $0x2800, $0x38;
	[tilespmem:$0x1F680] =	vst v63  }
0x1e: {  	s5 =	rddreg [dreg:$0x4]  }
0x1f: {  	[tilespmem:s20], [sflag:$0x1] =	stream.linear.gather [hbm4b:s5+s2], $0x2800, $0x38;
	[tilespmem:$0x1F680] =	vst v63  }
0x20: {  	s7 =	rddreg [dreg:$0x5]  }
0x21: {  	[tilespmem:s21], [sflag:$0x1] =	stream.linear.gather [hbm4b:s7+s2], $0x2800, $0x38;
	[tilespmem:$0x1F680] =	vst v63  }
0x22: {  	s8 =	rddreg [dreg:$0x6]  }
0x23: {  	[tilespmem:s22], [sflag:$0x1] =	stream.linear.gather [hbm4b:s8+s2], $0x2800, $0x38;
	[tilespmem:$0x1F680] =	vst v63  }
0x24: {  	s9 =	rddreg [dreg:$0x7]  }
0x25: {  	[tilespmem:s23], [sflag:$0x1] =	stream.linear.gather [hbm4b:s9+s2], $0x2800, $0x38;
	[tilespmem:$0x1F680] =	vst v63  }
0x26: {  	s11 =	simm.s32 $0x1B800  }
0x27: {  	[tilespmem:s11], [sflag:$0x2] =	stream.linear.gather [hbm4b:s10+s2], $0xFA0, $0x38;
	[tilespmem:$0x1F680] =	vst v63  }
0x28: {  	s12 =	rddreg [dreg:$0x8];
	s5 =	simm.s32 $0x1D740  }
0x29: {  	[tilespmem:s5], [sflag:$0x2] =	stream.linear.gather [hbm4b:s12+s2], $0xFA0, $0x38;
	[tilespmem:$0x1F680] =	vst v63  }
0x2a: {  	s3 =	simm.s32 $0x0;
	s5 =	simm.s32 $0x40  }
.LBB2_2:
0x2b: {  	p1 =	sne.s32 s5, $0x9FC0;
	[tilespmem:s3+$0x19000] =	vst v0;
	s7 =	smov.u32 s5;
	s5 =	sadd.s32 $0x40, s5  }
.Ltmp0:
0x2c: {  	[tilespmem:s3+$0x16800] =	vst v0;
	(pc) =	sbr.rel @p1 .LBB2_2-.Ltmp0, $4  }
0x2d: {  	[tilespmem:s3+$0x14000] =	vst v0  }
0x2e: {  	[tilespmem:s3+$0x5000] =	vst v0  }
0x2f: {  	[tilespmem:s3+$0x11800] =	vst v0  }
0x30: {  	s3 =	sshra.s32 s7, $0x2  }
0x31: {  	[tilespmem:s3+$0x19000] =	vst v0  }
0x32: {  	[tilespmem:s3+$0x16800] =	vst v0  }
0x33: {  	[tilespmem:s3+$0x14000] =	vst v0  }
0x34: {  	[tilespmem:s3+$0x5000] =	vst v0  }
0x35: {  	[tilespmem:s3+$0x11800] =	vst v0  }
0x36: {  	_ =	swait.ge [sflag:s26], $0x2800  }
0x37: {  	[sflag:s26] =	ssyncset.done $0x0  }
0x38: {  	[sflag:s26] =	ssyncadd.s32 $0xFFFFD800  }
0x39: {  	_ =	swait.ge [sflag:s26], $0x2800  }
0x3a: {  	[sflag:s26] =	ssyncset.done $0x0  }
0x3b: {  	[sflag:s26] =	ssyncadd.s32 $0xFFFFD800  }
0x3c: {  	_ =	swait.ge [sflag:s26], $0x2800  }
0x3d: {  	[sflag:s26] =	ssyncset.done $0x0  }
0x3e: {  	[sflag:s26] =	ssyncadd.s32 $0xFFFFD800  }
0x3f: {  	_ =	swait.ge [sflag:s26], $0x2800  }
0x40: {  	[sflag:s26] =	ssyncset.done $0x0  }
0x41: {  	[sflag:s26] =	ssyncadd.s32 $0xFFFFD800  }
0x42: {  	_ =	swait.ge [sflag:s26], $0x2800  }
0x43: {  	[sflag:s26] =	ssyncset.done $0x0  }
0x44: {  	[sflag:s26] =	ssyncadd.s32 $0xFFFFD800  }
0x45: {  	_ =	swait.ge [sflag:s26], $0x2800  }
0x46: {  	[sflag:s26] =	ssyncset.done $0x0  }
0x47: {  	[sflag:s26] =	ssyncadd.s32 $0xFFFFD800  }
0x48: {  	_ =	swait.ge [sflag:s28], $0xFA0  }
0x49: {  	[sflag:s28] =	ssyncset.done $0x0  }
0x4a: {  	[sflag:s28] =	ssyncadd.s32 $0xFFFFF060  }
0x4b: {  	_ =	swait.ge [sflag:s28], $0xFA0  }
0x4c: {  	[sflag:s28] =	ssyncset.done $0x0  }
0x4d: {  	p1 =	por $0x0, $0x0;
	s3 =	simm.s32 $0x0;
	[sflag:s28] =	ssyncadd.s32 $0xFFFFF060  }
.LBB2_4:
0x4e: {  	s5 =	smov.u32 s3  }
0x4f: {  	s7 =	simm.s32 $0x1;
	s3 =	sadd.s32 $0x1, s3;
	p2 =	seq.s32 s5, $0x9  }
0x50: {  	s7 =	simm.s32 @!p1 $0x0;
	s5 =	sand.u32 $0x1, s5;
	s8 =	smul.u32 @!p2 $0xFA0, s3  }
0x51: {  	s7 =	smul.u32 $0x3E80, s7;
	s5 =	sxor.u32 @!p2 $0x1, s5  }
0x52: {  	s5 =	smul.u32 @!p2 $0xFA0, s5;
	s9 =	sadd.s32 @!p2 s6, s8  }
0x53: {  	s8 =	sshrl.u32 s7, $0x2;
	s7 =	sshrl.u32 @!p2 s9, $0x3  }
0x54: {  	s11 =	simm.s32 @!p2 $0x0;
	s9 =	sadd.s32 @!p2 $0x1B800, s5;
	s7 =	sadd.s32 @!p2 s4, s7  }
0x55: {  	[tilespmem:s9], [sflag:$0x2] =	stream.linear.gather @!p2 [hbm4b:s7+s11], $0xFA0, $0x38;
	[tilespmem:$0x1F680] =	vst v63  }
0x56: {  	s12 =	sadd.s32 $0x1B840, s8;
	s5 =	sadd.s32 @!p2 $0x1D740, s5;
	s7 =	sadd.s32 @!p2 $0x9C40, s7  }
0x57: {  	[tilespmem:s5], [sflag:$0x2] =	stream.linear.gather @!p2 [hbm4b:s7+s11], $0xFA0, $0x38;
	[tilespmem:$0x1F680] =	vst v63  }
0x58: {  	s5 =	sadd.s32 $0x1D780, s8;
	v22 =	vld [tilespmem:s12+$0x30]  }
0x59: {  	v23 =	vld [tilespmem:s5+$0x30]  }
0x5a: {  	v6 =	vld [tilespmem:s5+$0xFFFFFFC0]  }
0x5b: {  	v18 =	vld [tilespmem:s12+$0xFFFFFFD0]  }
0x5c: {  	v1 =	vld [tilespmem:s5+$0xFFFFFFD0]  }
0x5d: {  	v8 =	vld [tilespmem:s12+$0xFFFFFFE0]  }
0x5e: {  	v2 =	vld [tilespmem:s5+$0xFFFFFFE0]  }
0x5f: {  	v9 =	vld [tilespmem:s12+$0xFFFFFFF0]  }
0x60: {  	v3 =	vld [tilespmem:s5+$0xFFFFFFF0]  }
0x61: {  	v7 =	vld.idx.msk [tilespmem:v22+s25+$0x0], $0xffff  }
0x62: {  	v13 =	vld.idx.msk [tilespmem:v23+s19+$0x0], $0xffff  }
0x63: {  	v10 =	vld [tilespmem:s12+$0x0]  }
0x64: {  	v4 =	vld [tilespmem:s5+$0x0]  }
0x65: {  	v11 =	vld [tilespmem:s12+$0x10]  }
0x66: {  	v20 =	vld [tilespmem:s12+$0xFFFFFFC0]  }
0x67: {  	v5 =	vld [tilespmem:s5+$0x10];
	v13 =	vadd.f32 v13, v7  }
0x68: {  	v12 =	vld [tilespmem:s12+$0x20]  }
0x69: {  	v15 =	vld.idx.msk [tilespmem:v6+s19+$0x0], $0xffff;
	v14 =	vmul.f32 $2.000000030e-01, v13  }
0x6a: {  	v16 =	vld.idx.msk [tilespmem:v18+s25+$0x0], $0xffff  }
0x6b: {  	v13 =	vmax.f32 v13, v14;
	v14 =	vld.idx.msk [tilespmem:v1+s19+$0x0], $0xffff  }
0x6c: {  	v17 =	vld.idx.msk [tilespmem:v8+s25+$0x0], $0xffff;
	v13 =	vmul.f32 $1.442695020e+00, v13  }
0x6d: {  	v19 =	vld.idx.msk [tilespmem:v2+s19+$0x0], $0xffff  }
0x6e: {  	v21 =	vld.idx.msk [tilespmem:v20+s25+$0x0], $0xffff;
	(erf) = vpow2.f32 v13  }
0x6f: {  	v7 =	vld [tilespmem:s5+$0x20]  }
0x70: {  	v24 =	vld.idx.msk [tilespmem:v3+s19+$0x0], $0xffff;
	v14 =	vadd.f32 v14, v16  }
0x71: {  	v13 =	vld.idx.msk [tilespmem:v9+s25+$0x0], $0xffff  }
0x72: {  	v25 =	vld.idx.msk [tilespmem:v10+s25+$0x0], $0xffff;
	v27 =	vmul.f32 $2.000000030e-01, v14  }
0x73: {  	v26 =	vld.idx.msk [tilespmem:v11+s25+$0x0], $0xffff;
	v15 =	vadd.f32 v15, v21  }
0x74: {  	v28 =	vld.idx.msk [tilespmem:v5+s19+$0x0], $0xffff;
	v17 =	vadd.f32 v19, v17;
	v14 =	vmax.f32 v14, v27  }
0x75: {  	v21 =	vld.idx.msk [tilespmem:v12+s25+$0x0], $0xffff;
	v29 =	vmul.f32 $2.000000030e-01, v15;
	v14 =	vmul.f32 $1.442695020e+00, v14  }
0x76: {  	v30 =	vmul.f32 $2.000000030e-01, v17;
	v16 =	vld.idx.msk [tilespmem:v4+s19+$0x0], $0xffff;
	v13 =	vadd.f32 v24, v13  }
0x77: {  	v15 =	vmax.f32 v15, v29;
	v19 =	vld.idx.msk [tilespmem:v7+s19+$0x0], $0xffff;
	v41 =	vpop (erf);
	(erf) = vpow2.f32 v14  }
0x78: {  	v14 =	vmul.f32 $1.442695020e+00, v15;
	v15 =	vmax.f32 v17, v30;
	v17 =	vmul.f32 $2.000000030e-01, v13;
	[tilespmem:v23+s29+$0x0] =	vst.idx.add.f32.msk $0xffff, v41  }
0x79: {  	v31 =	vld.idx.msk [tilespmem:v22+s20+$0x0], $0xffff  }
0x7a: {  	(erf) = vpow2.f32 v14;
	v14 =	vmul.f32 $1.442695020e+00, v15;
	v13 =	vmax.f32 v13, v17  }
0x7b: {  	v16 =	vadd.f32 v16, v25;
	v13 =	vmul.f32 $1.442695020e+00, v13  }
0x7c: {  	v42 =	vadd.f32 v28, v26;
	(erf) = vpow2.f32 v14  }
0x7d: {  	v19 =	vadd.f32 v19, v21;
	v15 =	vmul.f32 $2.000000030e-01, v16;
	(erf) = vpow2.f32 v13  }
0x7e: {  	v21 =	vmul.f32 v41, v31  }
0x7f: {  	v17 =	vmul.f32 $2.000000030e-01, v42;
	v15 =	vmax.f32 v16, v15;
	v16 =	vmul.f32 $2.000000030e-01, v19  }
0x80: {  	[tilespmem:v23+s30+$0x0] =	vst.idx.add.f32.msk $0xffff, v21  }
0x81: {  	v17 =	vmax.f32 v42, v17;
	v15 =	vmul.f32 $1.442695020e+00, v15;
	v16 =	vmax.f32 v19, v16;
	v19 =	vpop (erf);
	v13 =	vld.idx.msk [tilespmem:v22+s21+$0x0], $0xffff  }
0x82: {  	v14 =	vmul.f32 $1.442695020e+00, v17;
	[tilespmem:v1+s29+$0x0] =	vst.idx.add.f32.msk $0xffff, v19  }
0x83: {  	(erf) = vpow2.f32 v15;
	v43 =	vld.idx.msk [tilespmem:v18+s20+$0x0], $0xffff;
	v21 =	vpop (erf)  }
0x84: {  	[tilespmem:v6+s29+$0x0] =	vst.idx.add.f32.msk $0xffff, v21  }
0x85: {  	v16 =	vmul.f32 $1.442695020e+00, v16;
	(erf) = vpow2.f32 v14;
	v44 =	vld.idx.msk [tilespmem:v20+s20+$0x0], $0xffff;
	v17 =	vpop (erf)  }
0x86: {  	v14 =	vpop (erf);
	[tilespmem:v2+s29+$0x0] =	vst.idx.add.f32.msk $0xffff, v17  }
0x87: {  	(erf) = vpow2.f32 v16;
	[tilespmem:v3+s29+$0x0] =	vst.idx.add.f32.msk $0xffff, v14  }
0x88: {  	v13 =	vmul.f32 v41, v13;
	v46 =	vld.idx.msk [tilespmem:v8+s20+$0x0], $0xffff  }
0x89: {  	v47 =	vld.idx.msk [tilespmem:v9+s20+$0x0], $0xffff  }
0x8a: {  	v24 =	vmul.f32 v19, v43;
	[tilespmem:v23+s31+$0x0] =	vst.idx.add.f32.msk $0xffff, v13  }
0x8b: {  	v45 =	vld.idx.msk [tilespmem:v22+s22+$0x0], $0xffff  }
0x8c: {  	v25 =	vmul.f32 v21, v44;
	[tilespmem:v1+s30+$0x0] =	vst.idx.add.f32.msk $0xffff, v24;
	v13 =	vpop (erf)  }
0x8d: {  	[tilespmem:v4+s29+$0x0] =	vst.idx.add.f32.msk $0xffff, v13  }
0x8e: {  	v15 =	vpop (erf);
	[tilespmem:v6+s30+$0x0] =	vst.idx.add.f32.msk $0xffff, v25  }
0x8f: {  	[tilespmem:v5+s29+$0x0] =	vst.idx.add.f32.msk $0xffff, v15  }
0x90: {  	v16 =	vpop (erf);
	v48 =	vld.idx.msk [tilespmem:v10+s20+$0x0], $0xffff;
	v26 =	vmul.f32 v45, v41  }
0x91: {  	[tilespmem:v7+s29+$0x0] =	vst.idx.add.f32.msk $0xffff, v16  }
0x92: {  	[tilespmem:v23+s0+$0x0] =	vst.idx.add.f32.msk $0xffff, v26  }
0x93: {  	v22 =	vld.idx.msk [tilespmem:v22+s23+$0x0], $0xffff  }
0x94: {  	v28 =	vmul.f32 v17, v46;
	v49 =	vld.idx.msk [tilespmem:v11+s20+$0x0], $0xffff  }
0x95: {  	v51 =	vmul.f32 v14, v47;
	v50 =	vld.idx.msk [tilespmem:v12+s20+$0x0], $0xffff  }
0x96: {  	[tilespmem:v2+s30+$0x0] =	vst.idx.add.f32.msk $0xffff, v28  }
0x97: {  	[tilespmem:v3+s30+$0x0] =	vst.idx.add.f32.msk $0xffff, v51  }
0x98: {  	v54 =	vld.idx.msk [tilespmem:v8+s21+$0x0], $0xffff;
	v22 =	vmul.f32 v22, v41  }
0x99: {  	v55 =	vld.idx.msk [tilespmem:v9+s21+$0x0], $0xffff  }
0x9a: {  	[tilespmem:v23+s1+$0x0] =	vst.idx.add.f32.msk $0xffff, v22;
	v22 =	vmul.f32 v16, v50  }
0x9b: {  	v23 =	vld.idx.msk [tilespmem:v18+s21+$0x0], $0xffff  }
0x9c: {  	v52 =	vmul.f32 v13, v48;
	[tilespmem:v7+s30+$0x0] =	vst.idx.add.f32.msk $0xffff, v22  }
0x9d: {  	v53 =	vmul.f32 v15, v49;
	v22 =	vld.idx.msk [tilespmem:v20+s21+$0x0], $0xffff  }
0x9e: {  	[tilespmem:v4+s30+$0x0] =	vst.idx.add.f32.msk $0xffff, v52  }
0x9f: {  	[tilespmem:v5+s30+$0x0] =	vst.idx.add.f32.msk $0xffff, v53  }
0xa0: {  	v57 =	vld.idx.msk [tilespmem:v11+s21+$0x0], $0xffff  }
0xa1: {  	v56 =	vld.idx.msk [tilespmem:v10+s21+$0x0], $0xffff;
	v23 =	vmul.f32 v19, v23  }
0xa2: {  	v58 =	vld.idx.msk [tilespmem:v12+s21+$0x0], $0xffff;
	v22 =	vmul.f32 v21, v22  }
0xa3: {  	[tilespmem:v1+s31+$0x0] =	vst.idx.add.f32.msk $0xffff, v23;
	v23 =	vmul.f32 v14, v55  }
0xa4: {  	[tilespmem:v6+s31+$0x0] =	vst.idx.add.f32.msk $0xffff, v22;
	v22 =	vmul.f32 v17, v54  }
0xa5: {  	[tilespmem:v3+s31+$0x0] =	vst.idx.add.f32.msk $0xffff, v23;
	v23 =	vmul.f32 v15, v57  }
0xa6: {  	[tilespmem:v2+s31+$0x0] =	vst.idx.add.f32.msk $0xffff, v22;
	v22 =	vmul.f32 v13, v56  }
0xa7: {  	[tilespmem:v5+s31+$0x0] =	vst.idx.add.f32.msk $0xffff, v23  }
0xa8: {  	[tilespmem:v4+s31+$0x0] =	vst.idx.add.f32.msk $0xffff, v22;
	v22 =	vmul.f32 v16, v58  }
0xa9: {  	v23 =	vld.idx.msk [tilespmem:v18+s22+$0x0], $0xffff  }
0xaa: {  	[tilespmem:v7+s31+$0x0] =	vst.idx.add.f32.msk $0xffff, v22  }
0xab: {  	v22 =	vld.idx.msk [tilespmem:v20+s22+$0x0], $0xffff  }
0xac: {  	v60 =	vld.idx.msk [tilespmem:v9+s22+$0x0], $0xffff  }
0xad: {  	v59 =	vld.idx.msk [tilespmem:v8+s22+$0x0], $0xffff  }
0xae: {  	v62 =	vld.idx.msk [tilespmem:v11+s22+$0x0], $0xffff  }
0xaf: {  	v61 =	vld.idx.msk [tilespmem:v10+s22+$0x0], $0xffff;
	v23 =	vmul.f32 v23, v19  }
0xb0: {  	v63 =	vld.idx.msk [tilespmem:v12+s22+$0x0], $0xffff;
	v22 =	vmul.f32 v22, v21  }
0xb1: {  	[tilespmem:v1+s0+$0x0] =	vst.idx.add.f32.msk $0xffff, v23;
	v23 =	vmul.f32 v60, v14  }
0xb2: {  	[tilespmem:v6+s0+$0x0] =	vst.idx.add.f32.msk $0xffff, v22;
	v22 =	vmul.f32 v59, v17  }
0xb3: {  	[tilespmem:v3+s0+$0x0] =	vst.idx.add.f32.msk $0xffff, v23;
	v23 =	vmul.f32 v62, v15  }
0xb4: {  	[tilespmem:v2+s0+$0x0] =	vst.idx.add.f32.msk $0xffff, v22;
	v22 =	vmul.f32 v61, v13  }
0xb5: {  	[tilespmem:v5+s0+$0x0] =	vst.idx.add.f32.msk $0xffff, v23  }
0xb6: {  	[tilespmem:v4+s0+$0x0] =	vst.idx.add.f32.msk $0xffff, v22;
	v22 =	vmul.f32 v63, v16  }
0xb7: {  	v20 =	vld.idx.msk [tilespmem:v20+s23+$0x0], $0xffff  }
0xb8: {  	s7 =	sadd.s32 $0x1C780, s8;
	[tilespmem:v7+s0+$0x0] =	vst.idx.add.f32.msk $0xffff, v22  }
0xb9: {  	s8 =	sadd.s32 $0x1E6C0, s8;
	s11 =	simm.s32 $0x0;
	s12 =	sadd.s32 $0x80, s12;
	v22 =	vld.idx.msk [tilespmem:v18+s23+$0x0], $0xffff  }
.LBB2_5:
0xba: {  	v25 =	vld [tilespmem:s12+$0x30];
	s5 =	sadd.s32 $0x80, s5  }
0xbb: {  	s11 =	sadd.s32 $0x8, s11;
	v23 =	vld [tilespmem:s5+$0x30]  }
0xbc: {  	p3 =	slt.u32 s11, $0xF0;
	v28 =	vld [tilespmem:s5+$0xFFFFFFC0]  }
0xbd: {  	v18 =	vld [tilespmem:s12+$0xFFFFFFD0]  }
0xbe: {  	v29 =	vmul.f32 v20, v21;
	v26 =	vld [tilespmem:s5+$0xFFFFFFD0]  }
0xbf: {  	v19 =	vmul.f32 v22, v19;
	v30 =	vld [tilespmem:s12+$0xFFFFFFE0]  }
0xc0: {  	v31 =	vld [tilespmem:s5+$0xFFFFFFE0]  }
0xc1: {  	s9 =	simm.s32 $0x0;
	v32 =	vld [tilespmem:s12+$0xFFFFFFF0]  }
0xc2: {  	v20 =	vld.idx.msk [tilespmem:v25+s9+$0x0], $0xffff  }
0xc3: {  	v22 =	vld.idx.msk [tilespmem:v23+s19+$0x0], $0xffff  }
0xc4: {  	v21 =	vld [tilespmem:s5+$0xFFFFFFF0]  }
0xc5: {  	v33 =	vld [tilespmem:s12+$0x0]  }
0xc6: {  	v27 =	vld [tilespmem:s5+$0x0]  }
0xc7: {  	v34 =	vld [tilespmem:s12+$0x10]  }
0xc8: {  	v24 =	vld [tilespmem:s5+$0x10]  }
0xc9: {  	v36 =	vadd.f32 v22, v20;
	v35 =	vld [tilespmem:s12+$0x20]  }
0xca: {  	v22 =	vld [tilespmem:s5+$0x20]  }
0xcb: {  	v37 =	vmul.f32 $2.000000030e-01, v36;
	v20 =	vld [tilespmem:s12+$0xFFFFFFC0]  }
0xcc: {  	v38 =	vld.idx.msk [tilespmem:v28+s19+$0x0], $0xffff  }
0xcd: {  	v36 =	vmax.f32 v36, v37;
	v39 =	vld.idx.msk [tilespmem:v18+s9+$0x0], $0xffff  }
0xce: {  	v36 =	vmul.f32 $1.442695020e+00, v36;
	v37 =	vld.idx.msk [tilespmem:v26+s19+$0x0], $0xffff  }
0xcf: {  	v40 =	vld.idx.msk [tilespmem:v30+s9+$0x0], $0xffff  }
0xd0: {  	v41 =	vld.idx.msk [tilespmem:v31+s19+$0x0], $0xffff;
	(erf) = vpow2.f32 v36  }
0xd1: {  	v36 =	vld.idx.msk [tilespmem:v32+s9+$0x0], $0xffff  }
0xd2: {  	v42 =	vld.idx.msk [tilespmem:v21+s19+$0x0], $0xffff  }
0xd3: {  	v43 =	vld.idx.msk [tilespmem:v20+s9+$0x0], $0xffff  }
0xd4: {  	v37 =	vadd.f32 v37, v39;
	v39 =	vld.idx.msk [tilespmem:v33+s9+$0x0], $0xffff  }
0xd5: {  	v44 =	vld.idx.msk [tilespmem:v27+s19+$0x0], $0xffff  }
0xd6: {  	v45 =	vmul.f32 $2.000000030e-01, v37;
	v40 =	vadd.f32 v41, v40;
	v41 =	vld.idx.msk [tilespmem:v34+s9+$0x0], $0xffff  }
0xd7: {  	v46 =	vld.idx.msk [tilespmem:v24+s19+$0x0], $0xffff  }
0xd8: {  	v37 =	vmax.f32 v37, v45;
	v45 =	vmul.f32 $2.000000030e-01, v40;
	v36 =	vadd.f32 v42, v36;
	v42 =	vld.idx.msk [tilespmem:v35+s9+$0x0], $0xffff  }
0xd9: {  	v38 =	vadd.f32 v38, v43;
	v37 =	vmul.f32 $1.442695020e+00, v37;
	v43 =	vld.idx.msk [tilespmem:v22+s19+$0x0], $0xffff;
	v47 =	vpop (erf)  }
0xda: {  	v40 =	vmax.f32 v40, v45;
	v45 =	vmul.f32 $2.000000030e-01, v36;
	[tilespmem:v23+s29+$0x0] =	vst.idx.add.f32.msk $0xffff, v47  }
0xdb: {  	v48 =	vmul.f32 $2.000000030e-01, v38;
	v40 =	vmul.f32 $1.442695020e+00, v40;
	v39 =	vadd.f32 v44, v39;
	v44 =	vld.idx.msk [tilespmem:v25+s20+$0x0], $0xffff  }
0xdc: {  	v36 =	vmax.f32 v36, v45;
	(erf) = vpow2.f32 v37;
	v37 =	vld.idx.msk [tilespmem:v8+s23+$0x0], $0xffff;
	v8 =	vmov v30  }
0xdd: {  	v30 =	vmax.f32 v38, v48;
	v38 =	vmul.f32 $2.000000030e-01, v39;
	v41 =	vadd.f32 v46, v41;
	v45 =	vld.idx.msk [tilespmem:v9+s23+$0x0], $0xffff;
	v9 =	vmovc v32  }
0xde: {  	v30 =	vmul.f32 $1.442695020e+00, v30;
	v32 =	vmul.f32 $1.442695020e+00, v36;
	v36 =	vld.idx.msk [tilespmem:v10+s23+$0x0], $0xffff;
	v10 =	vmov v33  }
0xdf: {  	v33 =	vmax.f32 v39, v38;
	v38 =	vmul.f32 $2.000000030e-01, v41;
	v39 =	vadd.f32 v43, v42;
	v42 =	vld.idx.msk [tilespmem:v11+s23+$0x0], $0xffff;
	v11 =	vmovc v34  }
0xe0: {  	v33 =	vmul.f32 $1.442695020e+00, v33;
	(erf) = vpow2.f32 v30;
	v30 =	vld.idx.msk [tilespmem:v12+s23+$0x0], $0xffff;
	v12 =	vmov v35  }
0xe1: {  	v34 =	vmax.f32 v41, v38;
	v35 =	vmul.f32 $2.000000030e-01, v39;
	v38 =	vmul.f32 v47, v44;
	[tilespmem:v6+s1+$0x0] =	vst.idx.add.f32.msk $0xffff, v29  }
0xe2: {  	v29 =	vmul.f32 $1.442695020e+00, v34;
	v6 =	vmovc v28;
	(erf) = vpow2.f32 v40;
	[tilespmem:v1+s1+$0x0] =	vst.idx.add.f32.msk $0xffff, v19;
	v1 =	vmov v26  }
0xe3: {  	v17 =	vmul.f32 v37, v17;
	v34 =	vmax.f32 v39, v35;
	[tilespmem:v23+s30+$0x0] =	vst.idx.add.f32.msk $0xffff, v38;
	(erf) = vpow2.f32 v32  }
0xe4: {  	v28 =	vmul.f32 $1.442695020e+00, v34;
	v32 =	vld.idx.msk [tilespmem:v25+s21+$0x0], $0xffff;
	(erf) = vpow2.f32 v33  }
0xe5: {  	v14 =	vmul.f32 v45, v14;
	v19 =	vpop (erf);
	(erf) = vpow2.f32 v29;
	[tilespmem:v2+s1+$0x0] =	vst.idx.add.f32.msk $0xffff, v17;
	v2 =	vmov v31  }
0xe6: {  	v13 =	vmul.f32 v36, v13;
	[tilespmem:v26+s29+$0x0] =	vst.idx.add.f32.msk $0xffff, v19;
	(erf) = vpow2.f32 v28  }
0xe7: {  	v29 =	vmul.f32 v30, v16;
	v28 =	vmul.f32 v42, v15;
	v26 =	vld.idx.msk [tilespmem:v18+s20+$0x0], $0xffff  }
0xe8: {  	[tilespmem:v3+s1+$0x0] =	vst.idx.add.f32.msk $0xffff, v14;
	v3 =	vmov v21  }
0xe9: {  	v21 =	vpop (erf);
	[tilespmem:v4+s1+$0x0] =	vst.idx.add.f32.msk $0xffff, v13;
	v4 =	vmov v27  }
0xea: {  	v15 =	vmul.f32 v47, v32;
	[tilespmem:v6+s29+$0x0] =	vst.idx.add.f32.msk $0xffff, v21  }
0xeb: {  	v27 =	vld.idx.msk [tilespmem:v20+s20+$0x0], $0xffff;
	v17 =	vpop (erf)  }
0xec: {  	[tilespmem:v23+s31+$0x0] =	vst.idx.add.f32.msk $0xffff, v15;
	v14 =	vpop (erf)  }
0xed: {  	v26 =	vmul.f32 v19, v26;
	v30 =	vld.idx.msk [tilespmem:v25+s22+$0x0], $0xffff;
	v13 =	vpop (erf)  }
0xee: {  	[tilespmem:v31+s29+$0x0] =	vst.idx.add.f32.msk $0xffff, v17;
	v15 =	vpop (erf)  }
0xef: {  	[tilespmem:v3+s29+$0x0] =	vst.idx.add.f32.msk $0xffff, v14;
	v16 =	vpop (erf)  }
0xf0: {  	[tilespmem:v4+s29+$0x0] =	vst.idx.add.f32.msk $0xffff, v13  }
0xf1: {  	v27 =	vmul.f32 v21, v27;
	[tilespmem:v24+s29+$0x0] =	vst.idx.add.f32.msk $0xffff, v15  }
0xf2: {  	[tilespmem:v22+s29+$0x0] =	vst.idx.add.f32.msk $0xffff, v16  }
0xf3: {  	v30 =	vmul.f32 v30, v47;
	v31 =	vld.idx.msk [tilespmem:v8+s20+$0x0], $0xffff  }
0xf4: {  	v32 =	vld.idx.msk [tilespmem:v9+s20+$0x0], $0xffff  }
0xf5: {  	[tilespmem:v23+s0+$0x0] =	vst.idx.add.f32.msk $0xffff, v30  }
0xf6: {  	v25 =	vld.idx.msk [tilespmem:v25+s23+$0x0], $0xffff  }
0xf7: {  	v30 =	vld.idx.msk [tilespmem:v10+s20+$0x0], $0xffff  }
0xf8: {  	v33 =	vld.idx.msk [tilespmem:v11+s20+$0x0], $0xffff  }
0xf9: {  	v31 =	vmul.f32 v17, v31;
	v34 =	vld.idx.msk [tilespmem:v12+s20+$0x0], $0xffff  }
0xfa: {  	[tilespmem:v6+s30+$0x0] =	vst.idx.add.f32.msk $0xffff, v27;
	v27 =	vmul.f32 v14, v32  }
0xfb: {  	[tilespmem:v1+s30+$0x0] =	vst.idx.add.f32.msk $0xffff, v26  }
0xfc: {  	v25 =	vmul.f32 v25, v47;
	[tilespmem:v2+s30+$0x0] =	vst.idx.add.f32.msk $0xffff, v31  }
0xfd: {  	v26 =	vmul.f32 v13, v30;
	[tilespmem:v3+s30+$0x0] =	vst.idx.add.f32.msk $0xffff, v27  }
0xfe: {  	v27 =	vmul.f32 v15, v33;
	[tilespmem:v23+s1+$0x0] =	vst.idx.add.f32.msk $0xffff, v25  }
0xff: {  	v23 =	vmul.f32 v16, v34;
	[tilespmem:v4+s30+$0x0] =	vst.idx.add.f32.msk $0xffff, v26  }
0x100: {  	[tilespmem:v24+s30+$0x0] =	vst.idx.add.f32.msk $0xffff, v27  }
0x101: {  	[tilespmem:v22+s30+$0x0] =	vst.idx.add.f32.msk $0xffff, v23  }
0x102: {  	v23 =	vld.idx.msk [tilespmem:v20+s21+$0x0], $0xffff  }
0x103: {  	v25 =	vld.idx.msk [tilespmem:v18+s21+$0x0], $0xffff  }
0x104: {  	v26 =	vld.idx.msk [tilespmem:v8+s21+$0x0], $0xffff  }
0x105: {  	v27 =	vld.idx.msk [tilespmem:v9+s21+$0x0], $0xffff  }
0x106: {  	v30 =	vld.idx.msk [tilespmem:v10+s21+$0x0], $0xffff  }
0x107: {  	v31 =	vld.idx.msk [tilespmem:v11+s21+$0x0], $0xffff  }
0x108: {  	v23 =	vmul.f32 v21, v23;
	v32 =	vld.idx.msk [tilespmem:v12+s21+$0x0], $0xffff  }
0x109: {  	v25 =	vmul.f32 v19, v25;
	[tilespmem:v5+s1+$0x0] =	vst.idx.add.f32.msk $0xffff, v28;
	v5 =	vmov v24  }
0x10a: {  	[tilespmem:v6+s31+$0x0] =	vst.idx.add.f32.msk $0xffff, v23;
	v23 =	vmul.f32 v17, v26  }
0x10b: {  	v24 =	vmul.f32 v14, v27;
	[tilespmem:v1+s31+$0x0] =	vst.idx.add.f32.msk $0xffff, v25  }
0x10c: {  	[tilespmem:v2+s31+$0x0] =	vst.idx.add.f32.msk $0xffff, v23;
	v23 =	vmul.f32 v13, v30  }
0x10d: {  	[tilespmem:v3+s31+$0x0] =	vst.idx.add.f32.msk $0xffff, v24;
	v24 =	vmul.f32 v15, v31  }
0x10e: {  	[tilespmem:v4+s31+$0x0] =	vst.idx.add.f32.msk $0xffff, v23;
	v23 =	vmul.f32 v16, v32  }
0x10f: {  	[tilespmem:v5+s31+$0x0] =	vst.idx.add.f32.msk $0xffff, v24  }
0x110: {  	[tilespmem:v22+s31+$0x0] =	vst.idx.add.f32.msk $0xffff, v23  }
0x111: {  	v23 =	vld.idx.msk [tilespmem:v20+s22+$0x0], $0xffff  }
0x112: {  	v24 =	vld.idx.msk [tilespmem:v18+s22+$0x0], $0xffff  }
0x113: {  	v25 =	vld.idx.msk [tilespmem:v8+s22+$0x0], $0xffff  }
0x114: {  	v26 =	vld.idx.msk [tilespmem:v9+s22+$0x0], $0xffff  }
0x115: {  	v27 =	vld.idx.msk [tilespmem:v10+s22+$0x0], $0xffff  }
0x116: {  	v28 =	vld.idx.msk [tilespmem:v11+s22+$0x0], $0xffff  }
0x117: {  	v23 =	vmul.f32 v23, v21;
	v30 =	vld.idx.msk [tilespmem:v12+s22+$0x0], $0xffff  }
0x118: {  	v24 =	vmul.f32 v24, v19;
	[tilespmem:v7+s1+$0x0] =	vst.idx.add.f32.msk $0xffff, v29;
	v7 =	vmov v22  }
0x119: {  	v22 =	vmul.f32 v25, v17;
	[tilespmem:v6+s0+$0x0] =	vst.idx.add.f32.msk $0xffff, v23  }
0x11a: {  	v23 =	vmul.f32 v26, v14;
	[tilespmem:v1+s0+$0x0] =	vst.idx.add.f32.msk $0xffff, v24  }
0x11b: {  	[tilespmem:v2+s0+$0x0] =	vst.idx.add.f32.msk $0xffff, v22;
	v22 =	vmul.f32 v27, v13  }
0x11c: {  	[tilespmem:v3+s0+$0x0] =	vst.idx.add.f32.msk $0xffff, v23;
	v23 =	vmul.f32 v28, v15  }
.Ltmp1:
0x11d: {  	[tilespmem:v4+s0+$0x0] =	vst.idx.add.f32.msk $0xffff, v22;
	v22 =	vmul.f32 v30, v16;
	(pc) =	sbr.rel @p3 .LBB2_5-.Ltmp1, $4  }
0x11e: {  	[tilespmem:v5+s0+$0x0] =	vst.idx.add.f32.msk $0xffff, v23  }
0x11f: {  	[tilespmem:v7+s0+$0x0] =	vst.idx.add.f32.msk $0xffff, v22  }
0x120: {  	v20 =	vld.idx.msk [tilespmem:v20+s23+$0x0], $0xffff  }
0x121: {  	s12 =	sadd.s32 $0x80, s12;
	v22 =	vld.idx.msk [tilespmem:v18+s23+$0x0], $0xffff  }
0x122: {  	_ =	sdelay $0x3  }
0x123: {  	v8 =	vld.idx.msk [tilespmem:v8+s23+$0x0], $0xffff  }
0x124: {  	v11 =	vld.idx.msk [tilespmem:v11+s23+$0x0], $0xffff  }
0x125: {  	v9 =	vld.idx.msk [tilespmem:v9+s23+$0x0], $0xffff  }
0x126: {  	v10 =	vld.idx.msk [tilespmem:v10+s23+$0x0], $0xffff;
	v18 =	vmul.f32 v20, v21  }
0x127: {  	v12 =	vld.idx.msk [tilespmem:v12+s23+$0x0], $0xffff;
	v19 =	vmul.f32 v22, v19  }
0x128: {  	[tilespmem:v6+s1+$0x0] =	vst.idx.add.f32.msk $0xffff, v18;
	v62 =	vmul.f32 v8, v17  }
0x129: {  	v63 =	vmul.f32 v11, v15;
	[tilespmem:v1+s1+$0x0] =	vst.idx.add.f32.msk $0xffff, v19  }
0x12a: {  	v1 =	vmul.f32 v9, v14;
	[tilespmem:v2+s1+$0x0] =	vst.idx.add.f32.msk $0xffff, v62  }
0x12b: {  	v2 =	vmul.f32 v10, v13;
	[tilespmem:v5+s1+$0x0] =	vst.idx.add.f32.msk $0xffff, v63  }
0x12c: {  	[tilespmem:v3+s1+$0x0] =	vst.idx.add.f32.msk $0xffff, v1;
	v1 =	vmul.f32 v12, v16  }
0x12d: {  	[tilespmem:v4+s1+$0x0] =	vst.idx.add.f32.msk $0xffff, v2  }
0x12e: {  	[tilespmem:v7+s1+$0x0] =	vst.idx.add.f32.msk $0xffff, v1  }
.LBB2_7:
0x12f: {  	s5 =	sshra.s32 s9, $0x2  }
0x130: {  	s11 =	sadd.s32 s5, s7  }
0x131: {  	s5 =	sadd.s32 s5, s8;
	v1 =	vld [tilespmem:s11+$0x0]  }
0x132: {  	v2 =	vld [tilespmem:s5+$0x0];
	_ =	sdelay $0x6  }
0x133: {  	v3 =	vld.idx.msk [tilespmem:v1+s2+$0x0], $0xffff  }
0x134: {  	v4 =	vld.idx.msk [tilespmem:v2+s19+$0x0], $0xffff;
	_ =	sdelay $0x4  }
0x135: {  	v3 =	vadd.f32 v4, v3;
	_ =	sdelay $0x1  }
0x136: {  	v4 =	vmul.f32 $2.000000030e-01, v3;
	_ =	sdelay $0x1  }
0x137: {  	v3 =	vmax.f32 v3, v4  }
0x138: {  	v3 =	vmul.f32 $1.442695020e+00, v3;
	_ =	sdelay $0x1  }
0x139: {  	(erf) = vpow2.f32 v3;
	_ =	sdelay $0x8  }
0x13a: {  	v3 =	vpop (erf)  }
0x13b: {  	[tilespmem:v2+s29+$0x0] =	vst.idx.add.f32.msk $0xffff, v3  }
0x13c: {  	v63 =	vld.idx.msk [tilespmem:v1+s20+$0x0], $0xffff;
	_ =	sdelay $0x4  }
0x13d: {  	v4 =	vmul.f32 v3, v63;
	_ =	sdelay $0x1  }
0x13e: {  	[tilespmem:v2+s30+$0x0] =	vst.idx.add.f32.msk $0xffff, v4  }
0x13f: {  	v4 =	vld.idx.msk [tilespmem:v1+s21+$0x0], $0xffff;
	_ =	sdelay $0x4  }
0x140: {  	v4 =	vmul.f32 v3, v4;
	_ =	sdelay $0x1  }
0x141: {  	[tilespmem:v2+s31+$0x0] =	vst.idx.add.f32.msk $0xffff, v4  }
0x142: {  	v4 =	vld.idx.msk [tilespmem:v1+s22+$0x0], $0xffff;
	_ =	sdelay $0x4  }
0x143: {  	v4 =	vmul.f32 v4, v3;
	_ =	sdelay $0x1  }
0x144: {  	[tilespmem:v2+s0+$0x0] =	vst.idx.add.f32.msk $0xffff, v4  }
0x145: {  	v1 =	vld.idx.msk [tilespmem:v1+s23+$0x0], $0xffff;
	_ =	sdelay $0x1  }
0x146: {  	p3 =	sne.s32 s9, $0x40  }
.Ltmp2:
0x147: {  	_ = 	snop;
	(pc) =	sbr.rel @p3 .LBB2_7-.Ltmp2, $3  }
0x148: {  	_ = 	snop  }
0x149: {  	v1 =	vmul.f32 v1, v3;
	_ =	sdelay $0x1  }
0x14a: {  	s9 =	sadd.s32 $0x40, s9;
	[tilespmem:v2+s1+$0x0] =	vst.idx.add.f32.msk $0xffff, v1  }
0x14b: {  	s5 =	simm.s32 @!p2 $0x2;
	p3 =	sne.s32 @!p2 s3, $0xA  }
0x14c: {  	_ =	swait.ge @!p2 [sflag:s5], $0xFA0;
	p3 =	por p2, !p3  }
.Ltmp3:
0x14d: {  	[sflag:s5] =	ssyncset.done @!p2 $0x0;
	(pc) =	sbr.rel @!p3 .LBB2_4-.Ltmp3, $4  }
0x14e: {  	[sflag:s5] =	ssyncadd.s32 @!p2 $0xFFFFF060  }
0x14f: {  	_ =	swait.ge @!p2 [sflag:s5], $0xFA0  }
0x150: {  	[sflag:s5] =	ssyncset.done @!p2 $0x0  }
0x151: {  	p1 =	por @!p2 !p1, !p1;
	[sflag:s5] =	ssyncadd.s32 @!p2 $0xFFFFF060  }
0x152: {  	[hbm4b:s13+s2] =	stream.linear.scatter [tilespmem:s30], [sflag:$0x1], $0x2800, $0x38;
	[tilespmem:$0x1F680] =	vst v63  }
0x153: {  	_ = 	snop  }
0x154: {  	[hbm4b:s14+s2] =	stream.linear.scatter [tilespmem:s31], [sflag:$0x1], $0x2800, $0x38;
	[tilespmem:$0x1F680] =	vst v63  }
0x155: {  	_ = 	snop  }
0x156: {  	[hbm4b:s15+s2] =	stream.linear.scatter [tilespmem:s0], [sflag:$0x1], $0x2800, $0x38;
	[tilespmem:$0x1F680] =	vst v63  }
0x157: {  	_ = 	snop  }
0x158: {  	[hbm4b:s16+s2] =	stream.linear.scatter [tilespmem:s1], [sflag:$0x1], $0x2800, $0x38;
	[tilespmem:$0x1F680] =	vst v63  }
0x159: {  	s3 =	simm.s32 @!p0 $0x0;
	s5 =	simm.s32 @!p0 $0x5000  }
0x15a: {  	[hbm4b:s17+s3] =	stream.linear.scatter @!p0 [tilespmem:s5], [sflag:$0x1], $0x2800, $0x38;
	[tilespmem:$0x1F680] =	vst v63  }
0x15b: {  	s3 =	simm.s32 @!p0 $0x1  }
0x15c: {  	_ =	swait.ge @!p0 [sflag:s3], $0x2800  }
0x15d: {  	[sflag:s3] =	ssyncset.done @!p0 $0x0  }
0x15e: {  	[sflag:s3] =	ssyncadd.s32 @!p0 $0xFFFFD800  }
0x15f: {  	_ =	swait.ge [sflag:s26], $0x2800  }
0x160: {  	[sflag:s26] =	ssyncset.done $0x0  }
0x161: {  	[sflag:s26] =	ssyncadd.s32 $0xFFFFD800  }
0x162: {  	_ =	swait.ge [sflag:s26], $0x2800  }
0x163: {  	[sflag:s26] =	ssyncset.done $0x0  }
0x164: {  	s24 =	sadd.s32 $0x1, s24;
	[sflag:s26] =	ssyncadd.s32 $0xFFFFD800  }
0x165: {  	p1 =	sne.s32 s24, s18;
	_ =	swait.ge [sflag:s26], $0x2800  }
.Ltmp4:
0x166: {  	[sflag:s26] =	ssyncset.done $0x0;
	(pc) =	sbr.rel @p1 .LBB2_1-.Ltmp4, $4  }
0x167: {  	[sflag:s26] =	ssyncadd.s32 $0xFFFFD800  }
0x168: {  	_ =	swait.ge [sflag:s26], $0x2800  }
0x169: {  	[sflag:s26] =	ssyncset.done $0x0  }
0x16a: {  	[sflag:s26] =	ssyncadd.s32 $0xFFFFD800  }
0x16b: {  	_ =	sfence.sel $0x180000  }
0x16c: {  	[bflag:$0x0] =	sbarrier.arrive $0xFFFF  }
0x16d: {  	_ =	strace $0x90000047  }
0x16e: {  	s0 =	stileid.u32;
	[bflag:$0x2] =	sbarrier.arrive $0xFFFF  }
0x16f: {  	p0 =	sne.s32 s0, $0x0;
	s0 =	rddreg [dreg:$0x1]  }
0x170: {  	s0 =	sadd.s32 @!p0 $0x100000, s0  }
0x171: {  	[sflag:s0] =	ssyncadd.tile.s32 @!p0 $0x1;
	_ =	shalt  }
.Lfunc_end2:
_tile_overlayer_lowered:
.L_overlay_start_2:
0x172: {  	(tag) =	ssettag $0x2  }
0x173: {  	s0 =	rddreg [dreg:$0x0];
	s2 =	stileid.u32  }
0x174: {  	s1 =	rddreg [dreg:$0x1];
	p0 =	sne.s32 s2, $0x0  }
0x175: {  	s3 =	rddreg [dreg:$0x2];
	[bflag:$0x3] =	sbarrier.arrive $0xFFFF;
	s2 =	simm.s32 @!p0 $0x1C03  }
0x176: {  	[timem:s3], [sflag:s2] =	dma.local @!p0 [hbm:s0], s1  }
0x177: {  	s0 =	simm.s32 @!p0 $0x3  }
0x178: {  	_ =	swait.ge @!p0 [sflag:s0], s1  }
0x179: {  	s1 =	ssub.s32 @!p0 $0x0, s1;
	[sflag:s0] =	ssyncset.done @!p0 $0x0  }
0x17a: {  	[sflag:s0] =	ssyncadd.s32 @!p0 s1  }
0x17b: {  	[bflag:$0x3] =	sbarrier.arrive $0xFFFF  }
0x17c: {  	_ =	shalt  }

</sc_bundles>
